<compile_context>
chip_gen: v7x
topology: tpu7x:2x2x1
jax: 0.10.2.dev20260603
libtpu: 0.0.44.dev20260713+nightly
codegen_flags: <defaults>
</compile_context>

<pallas_src>
import jax
import jax.numpy as jnp
from jax import lax
from jax.experimental import pallas as pl
from jax.experimental.pallas import tpu as pltpu
from jax.experimental.pallas import tpu_sc as plsc

N_NODES = 10000
N_EDGES = 320000
D = 128

NUM_CORES = 2
NUM_SUBCORES = 16
DF = D // NUM_CORES
ACC_ROWS = 10240
E_PER_TILE = N_EDGES // NUM_SUBCORES
CHUNK = 80
N_CHUNKS = E_PER_TILE // CHUNK
NBUF = 4
SLAB = 80
SLABS_PER_SUB = ACC_ROWS // NUM_SUBCORES // SLAB


def _sc_body(row_hbm, col_hbm, x_hbm, out_hbm,
             col_v, row_v, rows_v, aggr_sh, sem, sem_s):
    c = lax.axis_index("c")
    s = lax.axis_index("s")

    zeros16 = jnp.zeros((16,), jnp.float32)

    def zstore(i, carry):
        rows_v[0, i // 4, pl.ds((i % 4) * 16, 16)] = zeros16
        return carry

    lax.fori_loop(0, SLAB * 4, zstore, 0)

    def zcopy(t, carry):
        pltpu.sync_copy(
            rows_v.at[0, pl.ds(0, SLAB)],
            aggr_sh.at[pl.ds(s * (SLABS_PER_SUB * SLAB) + t * SLAB, SLAB)])
        return carry

    lax.fori_loop(0, SLABS_PER_SUB, zcopy, 0)
    plsc.subcore_barrier()

    pltpu.sync_copy(col_hbm.at[s], col_v)
    pltpu.sync_copy(row_hbm.at[s], row_v)

    def _localize(jn):
        for q in range(CHUNK // 16):
            sl = pl.ds(q * 16, 16)
            col_v[jn, sl] = col_v[jn, sl] * 2 + c

    for p in range(NBUF - 1):
        _localize(p)
        pltpu.async_copy(x_hbm.at[col_v.at[p]], rows_v.at[p], sem)

    def echunk(j, carry):
        b = j % NBUF

        @pl.when(jnp.logical_and(j >= 1, j + NBUF - 1 < N_CHUNKS))
        def _drain_prev():
            pltpu.make_async_copy(rows_v.at[(j - 1) % NBUF],
                                  aggr_sh.at[row_v.at[j - 1]], sem_s).wait()

        @pl.when(j + NBUF - 1 < N_CHUNKS)
        def _prefetch():
            _localize(j + NBUF - 1)
            pltpu.async_copy(x_hbm.at[col_v.at[j + NBUF - 1]],
                             rows_v.at[(j + NBUF - 1) % NBUF], sem)

        pltpu.make_async_copy(x_hbm.at[col_v.at[j]], rows_v.at[b], sem).wait()
        pltpu.async_copy(rows_v.at[b], aggr_sh.at[row_v.at[j]], sem_s,
                         add=True)
        return carry

    lax.fori_loop(0, N_CHUNKS, echunk, 0)
    for p in range(N_CHUNKS - NBUF, N_CHUNKS):
        pltpu.make_async_copy(rows_v.at[p % NBUF],
                              aggr_sh.at[row_v.at[p]], sem_s).wait()
    plsc.subcore_barrier()

    def wcopy(t, carry):
        wb = s * (SLABS_PER_SUB * SLAB) + t * SLAB

        @pl.when(wb + SLAB <= N_NODES)
        def _full():
            pltpu.sync_copy(aggr_sh.at[pl.ds(wb, SLAB)],
                            rows_v.at[0, pl.ds(0, SLAB)])
            pltpu.sync_copy(rows_v.at[0, pl.ds(0, SLAB)],
                            out_hbm.at[c, pl.ds(wb, SLAB)])

        return carry

    lax.fori_loop(0, SLABS_PER_SUB, wcopy, 0)


def _sc_aggregate(row3, col4, x2):
    fn = pl.kernel(
        _sc_body,
        out_type=jax.ShapeDtypeStruct((NUM_CORES, N_NODES, DF), jnp.float32),
        mesh=plsc.VectorSubcoreMesh(core_axis_name="c", subcore_axis_name="s"),
        compiler_params=pltpu.CompilerParams(use_tc_tiling_on_sc=False),
        scratch_types=[
            pltpu.VMEM((N_CHUNKS, CHUNK), jnp.int32),
            pltpu.VMEM((N_CHUNKS, CHUNK), jnp.int32),
            pltpu.VMEM((NBUF, CHUNK, DF), jnp.float32),
            pltpu.VMEM_SHARED((ACC_ROWS, DF), jnp.float32),
            pltpu.SemaphoreType.DMA,
            pltpu.SemaphoreType.DMA,
        ],
    )
    return fn(row3, col4, x2)


BLK = 2000
DOUT = 8


def _mlp_body(a_ref, w1a_ref, w1b_ref, b1_ref, w2_ref, b2_ref, o_ref):
    h = lax.dot_general(a_ref[0], w1a_ref[...], (((1,), (1,)), ((), ())),
                        preferred_element_type=jnp.float32)
    h = h + lax.dot_general(a_ref[1], w1b_ref[...], (((1,), (1,)), ((), ())),
                            preferred_element_type=jnp.float32)
    h = jnp.maximum(h + b1_ref[...], 0.0)
    sc = lax.dot_general(h, w2_ref[...], (((1,), (0,)), ((), ())),
                         preferred_element_type=jnp.float32)
    o_ref[...] = sc + b2_ref[0, 0]


def _mlp(aggr2, W1a, W1b, b1, W2, b2):
    return pl.pallas_call(
        _mlp_body,
        grid=(N_NODES // BLK,),
        in_specs=[
            pl.BlockSpec((NUM_CORES, BLK, DF), lambda i: (0, i, 0)),
            pl.BlockSpec((D, DF), lambda i: (0, 0)),
            pl.BlockSpec((D, DF), lambda i: (0, 0)),
            pl.BlockSpec((1, D), lambda i: (0, 0)),
            pl.BlockSpec((D, DOUT), lambda i: (0, 0)),
            pl.BlockSpec((1, 1), lambda i: (0, 0)),
        ],
        out_specs=pl.BlockSpec((BLK, DOUT), lambda i: (i, 0)),
        out_shape=jax.ShapeDtypeStruct((N_NODES, DOUT), jnp.float32),
    )(aggr2, W1a, W1b, b1, W2, b2)


def kernel(x, edge_index, W1, b1, W2, b2):
    row = edge_index[0].astype(jnp.int32).reshape(NUM_SUBCORES, N_CHUNKS, CHUNK)
    col = edge_index[1].astype(jnp.int32).reshape(NUM_SUBCORES, N_CHUNKS, CHUNK)
    x2 = x.reshape(NUM_CORES * N_NODES, DF)
    aggr2 = _sc_aggregate(row, col, x2)
    W2pad = jnp.zeros((D, DOUT), jnp.float32).at[:, 0].set(W2[0])
    scores = _mlp(aggr2, W1[:, :DF], W1[:, DF:], b1.reshape(1, D), W2pad,
                  b2.reshape(1, 1))
    return scores[:, 0]

# --- scband reference (transcript-rebuilt; emitter-appended) ---
"""Pipeline reference for scband-lightweight-gnn-3229815407293 (READ-ONLY COPY).

The authoritative reference and input builder live on the scoring server;
editing this copy changes nothing except your own understanding.
"""

import jax, jax.numpy as jnp
import numpy as np

N_NODES = 10000
N_EDGES = 320000
D_IN = 128
D_HID = 128


def setup_inputs(seed: int = 0) -> dict:
    key = jax.random.key(seed)
    k_x, k_ei, k_w1, k_b1, k_w2, k_b2 = jax.random.split(key, 6)
    x = jax.random.normal(k_x, (N_NODES, D_IN), dtype=jnp.float32)
    edge_index = jax.random.randint(k_ei, (2, N_EDGES), 0, N_NODES, dtype=jnp.int64)
    # nn.Linear params: weight [out, in], bias [out]
    lim1 = 1.0 / np.sqrt(D_IN)
    W1 = jax.random.uniform(k_w1, (D_HID, D_IN), dtype=jnp.float32, minval=-lim1, maxval=lim1)
    b1 = jax.random.uniform(k_b1, (D_HID,), dtype=jnp.float32, minval=-lim1, maxval=lim1)
    lim2 = 1.0 / np.sqrt(D_HID)
    W2 = jax.random.uniform(k_w2, (1, D_HID), dtype=jnp.float32, minval=-lim2, maxval=lim2)
    b2 = jax.random.uniform(k_b2, (1,), dtype=jnp.float32, minval=-lim2, maxval=lim2)
    return {"x": x, "edge_index": edge_index, "W1": W1, "b1": b1, "W2": W2, "b2": b2}


def reference(x, edge_index, W1, b1, W2, b2):
    row = edge_index[0]
    col = edge_index[1]
    # aggr.index_add_(0, row, x[col])  -> scatter-add of gathered neighbor feats
    gathered = jnp.take(x, col, axis=0)
    aggr = jnp.zeros_like(x).at[row].add(gathered)
    h = jax.nn.relu(aggr @ W1.T + b1)
    scores = (h @ W2.T + b2).squeeze(-1)
    return scores

if __name__ == "__main__":
    import jax
    _d = setup_inputs()
    print(jax.jit(kernel)(*tuple(_d.values())))

</pallas_src>

<mosaic_0001>
#map = affine_map<(d0, d1) -> (0, 0, 0)>
#map1 = affine_map<(d0, d1) -> (0, 0)>
module attributes {stable_mosaic.version = 14 : i64} {
  func.func @_sc_body(%arg0: i32, %arg1: i32, %arg2: memref<16x250x80xi32, #tpu.memory_space<hbm>>, %arg3: memref<16x250x80xi32, #tpu.memory_space<hbm>>, %arg4: memref<20000x64xf32, #tpu.memory_space<hbm>>, %arg5: memref<2x10000x64xf32, #tpu.memory_space<hbm>>, %arg6: memref<250x80xi32, #tpu.memory_space<vmem>>, %arg7: memref<250x80xi32, #tpu.memory_space<vmem>>, %arg8: memref<4x80x64xf32, #tpu.memory_space<vmem>>, %arg9: memref<10240x64xf32, #tpu.memory_space<vmem_shared>>, %arg10: memref<!tpu.dma_semaphore, #tpu.memory_space<semaphore_mem>>, %arg11: memref<!tpu.dma_semaphore, #tpu.memory_space<semaphore_mem>>) attributes {dimension_semantics = [#tpu.dimension_semantics<core_parallel>, #tpu.dimension_semantics<subcore_parallel>], iteration_bounds = array<i64: 2, 16>, scalar_prefetch = 0 : i64, scratch_operands = 6 : i64, tpu.core_type = #tpu.core_type<sc_vector_subcore>, window_params = [{transform_indices = #map}, {transform_indices = #map}, {transform_indices = #map1}, {transform_indices = #map}]} {
    %broadcast_in_dim3A = arith.constant 0.000000e+00 : f32
    %broadcast_in_dim3A_0 = vector.broadcast %broadcast_in_dim3A : f32 to vector<16xf32>
    %scan3A = arith.constant 0 : i32
    %scan3A_1 = arith.constant 0 : i32
    %scan3A_2 = arith.constant 320 : i32
    %scan3A_3 = arith.addi %scan3A_1, %scan3A_2 : i32
    %scan3A_4 = arith.constant 1 : i32
    scf.for %scan3A_343 = %scan3A_1 to %scan3A_3 step %scan3A_4  : i32 {
      %jit3A = arith.constant 4 : i32
      %div3A = arith.divsi %scan3A_343, %jit3A : i32
      %sign3A = arith.constant 0 : i32
      %sign3A_344 = arith.cmpi sgt, %scan3A_343, %sign3A : i32
      %sign3A_345 = arith.extui %sign3A_344 : i1 to i32
      %sign3A_346 = arith.constant 0 : i32
      %sign3A_347 = arith.cmpi slt, %scan3A_343, %sign3A_346 : i32
      %sign3A_348 = arith.extui %sign3A_347 : i1 to i32
      %sign3A_349 = arith.subi %sign3A_345, %sign3A_348 : i32
      %sign3A_350 = arith.constant 0 : i32
      %sign3A_351 = arith.cmpi sgt, %jit3A, %sign3A_350 : i32
      %sign3A_352 = arith.extui %sign3A_351 : i1 to i32
      %sign3A_353 = arith.constant 0 : i32
      %sign3A_354 = arith.cmpi slt, %jit3A, %sign3A_353 : i32
      %sign3A_355 = arith.extui %sign3A_354 : i1 to i32
      %sign3A_356 = arith.subi %sign3A_352, %sign3A_355 : i32
      %ne3A = arith.cmpi ne, %sign3A_349, %sign3A_356 : i32
      %rem3A = arith.remsi %scan3A_343, %jit3A : i32
      %ne3A_357 = arith.constant 0 : i32
      %ne3A_358 = arith.cmpi ne, %rem3A, %ne3A_357 : i32
      %and3A = arith.andi %ne3A, %ne3A_358 : i1
      %sub3A = arith.constant 1 : i32
      %sub3A_359 = arith.subi %div3A, %sub3A : i32
      %select_n3A = arith.select %and3A, %sub3A_359, %div3A : i32
      %jit3A_360 = arith.constant 4 : i32
      %eq3A = arith.constant 0 : i32
      %eq3A_361 = arith.cmpi eq, %jit3A_360, %eq3A : i32
      %jit3A_362 = arith.constant 1 : i32
      %select_n3A_363 = arith.select %eq3A_361, %jit3A_362, %jit3A_360 : i32
      %rem3A_364 = arith.remsi %scan3A_343, %select_n3A_363 : i32
      %ne3A_365 = arith.constant 0 : i32
      %ne3A_366 = arith.cmpi ne, %rem3A_364, %ne3A_365 : i32
      %lt3A = arith.constant 0 : i32
      %lt3A_367 = arith.cmpi slt, %rem3A_364, %lt3A : i32
      %lt3A_368 = arith.constant 0 : i32
      %lt3A_369 = arith.cmpi slt, %select_n3A_363, %lt3A_368 : i32
      %ne3A_370 = arith.xori %lt3A_367, %lt3A_369 : i1
      %and3A_371 = arith.andi %ne3A_370, %ne3A_366 : i1
      %add3A_372 = arith.addi %rem3A_364, %select_n3A_363 : i32
      %select_n3A_373 = arith.select %and3A_371, %add3A_372, %rem3A_364 : i32
      %mul3A_374 = arith.constant 16 : i32
      %mul3A_375 = arith.muli %select_n3A_373, %mul3A_374 : i32
      %swap3A_376 = arith.constant 0 : i32
      %swap3A_377 = arith.index_cast %swap3A_376 : i32 to index
      %swap3A_378 = arith.index_cast %select_n3A : i32 to index
      %swap3A_379 = arith.index_cast %mul3A_375 : i32 to index
      %swap3A_380 = tpu.vector_load %arg8[%swap3A_377, %swap3A_378, %swap3A_379] {strides = array<i32>} : memref<4x80x64xf32, #tpu.memory_space<vmem>>, vector<1x1x16xf32>,
      %swap3A_381 = vector.shape_cast %swap3A_380 : vector<1x1x16xf32> to vector<16xf32>
      %swap3A_382 = vector.shape_cast %broadcast_in_dim3A_0 : vector<16xf32> to vector<1x1x16xf32>
      tpu.vector_store %arg8[%swap3A_377, %swap3A_378, %swap3A_379], %swap3A_382 {strides = array<i32>} : memref<4x80x64xf32, #tpu.memory_space<vmem>>, vector<1x1x16xf32>,
    }
    %scan3A_5 = arith.constant 320 : i32
    %scan3A_6 = arith.constant 0 : i32
    %scan3A_7 = arith.constant 0 : i32
    %scan3A_8 = arith.constant 8 : i32
    %scan3A_9 = arith.addi %scan3A_7, %scan3A_8 : i32
    %scan3A_10 = arith.constant 1 : i32
    scf.for %scan3A_343 = %scan3A_7 to %scan3A_9 step %scan3A_10  : i32 {
      %mul3A_344 = arith.constant 640 : i32
      %mul3A_345 = arith.muli %arg1, %mul3A_344 : i32
      %mul3A_346 = arith.constant 80 : i32
      %mul3A_347 = arith.muli %scan3A_343, %mul3A_346 : i32
      %add3A_348 = arith.addi %mul3A_345, %mul3A_347 : i32
      %run_scoped3A = arith.constant 0 : i32
      "tpu.region"() ({
        %run_scoped3A_349 = tpu.sem_alloc : memref<!tpu.dma_semaphore, #tpu.memory_space<semaphore_mem>>
        %dma_start3A_350 = arith.constant 0 : i32
        %dma_start3A_351 = arith.constant 0 : i32
        %dma_start3A_352 = tpu.memref_slice %arg8[%run_scoped3A, %dma_start3A_350, %dma_start3A_351] : memref<4x80x64xf32, #tpu.memory_space<vmem>> -> memref<1x80x64xf32, #tpu.memory_space<vmem>>
        %dma_start3A_353 = tpu.memref_squeeze %dma_start3A_352 : memref<1x80x64xf32, #tpu.memory_space<vmem>> -> memref<80x64xf32, #tpu.memory_space<vmem>>
        %dma_start3A_354 = arith.constant 0 : i32
        %dma_start3A_355 = tpu.memref_slice %arg9[%add3A_348, %dma_start3A_354] : memref<10240x64xf32, #tpu.memory_space<vmem_shared>> -> memref<80x64xf32, #tpu.memory_space<vmem_shared>>
        %dma_start3A_356 = arith.constant 0 : i32
        %dma_start3A_357 = tpu.memref_slice %arg9[%add3A_348, %dma_start3A_356] : memref<10240x64xf32, #tpu.memory_space<vmem_shared>> -> memref<80x64xf32, #tpu.memory_space<vmem_shared>>
        %dma_start3A_358 = arith.constant 0 : i32
        %dma_start3A_359 = arith.constant 0 : i32
        %dma_start3A_360 = tpu.memref_slice %arg8[%run_scoped3A, %dma_start3A_358, %dma_start3A_359] : memref<4x80x64xf32, #tpu.memory_space<vmem>> -> memref<1x80x64xf32, #tpu.memory_space<vmem>>
        %dma_start3A_361 = tpu.memref_squeeze %dma_start3A_360 : memref<1x80x64xf32, #tpu.memory_space<vmem>> -> memref<80x64xf32, #tpu.memory_space<vmem>>
        tpu.enqueue_dma source(%dma_start3A_361 : memref<80x64xf32, #tpu.memory_space<vmem>>) target(%dma_start3A_357 : memref<80x64xf32, #tpu.memory_space<vmem_shared>>) target_semaphore(%run_scoped3A_349 : memref<!tpu.dma_semaphore, #tpu.memory_space<semaphore_mem>>)
        %dma_wait3A_362 = arith.constant 0 : i32
        %dma_wait3A_363 = arith.constant 0 : i32
        %dma_wait3A_364 = tpu.memref_slice %arg8[%run_scoped3A, %dma_wait3A_362, %dma_wait3A_363] : memref<4x80x64xf32, #tpu.memory_space<vmem>> -> memref<1x80x64xf32, #tpu.memory_space<vmem>>
        %dma_wait3A_365 = tpu.memref_squeeze %dma_wait3A_364 : memref<1x80x64xf32, #tpu.memory_space<vmem>> -> memref<80x64xf32, #tpu.memory_space<vmem>>
        %dma_wait3A_366 = arith.constant 0 : i32
        %dma_wait3A_367 = tpu.memref_slice %arg9[%add3A_348, %dma_wait3A_366] : memref<10240x64xf32, #tpu.memory_space<vmem_shared>> -> memref<80x64xf32, #tpu.memory_space<vmem_shared>>
        %dma_wait3A_368 = arith.constant 0 : i32
        %dma_wait3A_369 = tpu.memref_slice %arg9[%add3A_348, %dma_wait3A_368] : memref<10240x64xf32, #tpu.memory_space<vmem_shared>> -> memref<80x64xf32, #tpu.memory_space<vmem_shared>>
        %dma_wait3A_370 = arith.constant 0 : i32
        %dma_wait3A_371 = arith.constant 0 : i32
        %dma_wait3A_372 = tpu.memref_slice %arg8[%run_scoped3A, %dma_wait3A_370, %dma_wait3A_371] : memref<4x80x64xf32, #tpu.memory_space<vmem>> -> memref<1x80x64xf32, #tpu.memory_space<vmem>>
        %dma_wait3A_373 = tpu.memref_squeeze %dma_wait3A_372 : memref<1x80x64xf32, #tpu.memory_space<vmem>> -> memref<80x64xf32, #tpu.memory_space<vmem>>
        tpu.wait_dma2 semaphore(%run_scoped3A_349 : memref<!tpu.dma_semaphore, #tpu.memory_space<semaphore_mem>>) src(%dma_wait3A_373 : memref<80x64xf32, #tpu.memory_space<vmem>>) dst(%dma_wait3A_369 : memref<80x64xf32, #tpu.memory_space<vmem_shared>>)
        tpu.yield
      }) : () -> ()
    }
    %scan3A_11 = arith.constant 8 : i32
    %barrier3A = arith.constant 0 : index
    tpu.barrier barrier_id(%barrier3A)
    "tpu.region"() ({
      %run_scoped3A = tpu.sem_alloc : memref<!tpu.dma_semaphore, #tpu.memory_space<semaphore_mem>>
      %dma_start3A_343 = arith.constant 0 : i32
      %dma_start3A_344 = arith.constant 0 : i32
      %dma_start3A_345 = tpu.memref_slice %arg3[%arg1, %dma_start3A_343, %dma_start3A_344] : memref<16x250x80xi32, #tpu.memory_space<hbm>> -> memref<1x250x80xi32, #tpu.memory_space<hbm>>
      %dma_start3A_346 = tpu.memref_squeeze %dma_start3A_345 : memref<1x250x80xi32, #tpu.memory_space<hbm>> -> memref<250x80xi32, #tpu.memory_space<hbm>>
      %dma_start3A_347 = arith.constant 0 : i32
      %dma_start3A_348 = arith.constant 0 : i32
      %dma_start3A_349 = tpu.memref_slice %arg3[%arg1, %dma_start3A_347, %dma_start3A_348] : memref<16x250x80xi32, #tpu.memory_space<hbm>> -> memref<1x250x80xi32, #tpu.memory_space<hbm>>
      %dma_start3A_350 = tpu.memref_squeeze %dma_start3A_349 : memref<1x250x80xi32, #tpu.memory_space<hbm>> -> memref<250x80xi32, #tpu.memory_space<hbm>>
      tpu.enqueue_dma source(%dma_start3A_350 : memref<250x80xi32, #tpu.memory_space<hbm>>) target(%arg6 : memref<250x80xi32, #tpu.memory_space<vmem>>) target_semaphore(%run_scoped3A : memref<!tpu.dma_semaphore, #tpu.memory_space<semaphore_mem>>)
      %dma_wait3A_351 = arith.constant 0 : i32
      %dma_wait3A_352 = arith.constant 0 : i32
      %dma_wait3A_353 = tpu.memref_slice %arg3[%arg1, %dma_wait3A_351, %dma_wait3A_352] : memref<16x250x80xi32, #tpu.memory_space<hbm>> -> memref<1x250x80xi32, #tpu.memory_space<hbm>>
      %dma_wait3A_354 = tpu.memref_squeeze %dma_wait3A_353 : memref<1x250x80xi32, #tpu.memory_space<hbm>> -> memref<250x80xi32, #tpu.memory_space<hbm>>
      %dma_wait3A_355 = arith.constant 0 : i32
      %dma_wait3A_356 = arith.constant 0 : i32
      %dma_wait3A_357 = tpu.memref_slice %arg3[%arg1, %dma_wait3A_355, %dma_wait3A_356] : memref<16x250x80xi32, #tpu.memory_space<hbm>> -> memref<1x250x80xi32, #tpu.memory_space<hbm>>
      %dma_wait3A_358 = tpu.memref_squeeze %dma_wait3A_357 : memref<1x250x80xi32, #tpu.memory_space<hbm>> -> memref<250x80xi32, #tpu.memory_space<hbm>>
      tpu.wait_dma2 semaphore(%run_scoped3A : memref<!tpu.dma_semaphore, #tpu.memory_space<semaphore_mem>>) src(%dma_wait3A_358 : memref<250x80xi32, #tpu.memory_space<hbm>>) dst(%arg6 : memref<250x80xi32, #tpu.memory_space<vmem>>)
      tpu.yield
    }) : () -> ()
    "tpu.region"() ({
      %run_scoped3A = tpu.sem_alloc : memref<!tpu.dma_semaphore, #tpu.memory_space<semaphore_mem>>
      %dma_start3A_343 = arith.constant 0 : i32
      %dma_start3A_344 = arith.constant 0 : i32
      %dma_start3A_345 = tpu.memref_slice %arg2[%arg1, %dma_start3A_343, %dma_start3A_344] : memref<16x250x80xi32, #tpu.memory_space<hbm>> -> memref<1x250x80xi32, #tpu.memory_space<hbm>>
      %dma_start3A_346 = tpu.memref_squeeze %dma_start3A_345 : memref<1x250x80xi32, #tpu.memory_space<hbm>> -> memref<250x80xi32, #tpu.memory_space<hbm>>
      %dma_start3A_347 = arith.constant 0 : i32
      %dma_start3A_348 = arith.constant 0 : i32
      %dma_start3A_349 = tpu.memref_slice %arg2[%arg1, %dma_start3A_347, %dma_start3A_348] : memref<16x250x80xi32, #tpu.memory_space<hbm>> -> memref<1x250x80xi32, #tpu.memory_space<hbm>>
      %dma_start3A_350 = tpu.memref_squeeze %dma_start3A_349 : memref<1x250x80xi32, #tpu.memory_space<hbm>> -> memref<250x80xi32, #tpu.memory_space<hbm>>
      tpu.enqueue_dma source(%dma_start3A_350 : memref<250x80xi32, #tpu.memory_space<hbm>>) target(%arg7 : memref<250x80xi32, #tpu.memory_space<vmem>>) target_semaphore(%run_scoped3A : memref<!tpu.dma_semaphore, #tpu.memory_space<semaphore_mem>>)
      %dma_wait3A_351 = arith.constant 0 : i32
      %dma_wait3A_352 = arith.constant 0 : i32
      %dma_wait3A_353 = tpu.memref_slice %arg2[%arg1, %dma_wait3A_351, %dma_wait3A_352] : memref<16x250x80xi32, #tpu.memory_space<hbm>> -> memref<1x250x80xi32, #tpu.memory_space<hbm>>
      %dma_wait3A_354 = tpu.memref_squeeze %dma_wait3A_353 : memref<1x250x80xi32, #tpu.memory_space<hbm>> -> memref<250x80xi32, #tpu.memory_space<hbm>>
      %dma_wait3A_355 = arith.constant 0 : i32
      %dma_wait3A_356 = arith.constant 0 : i32
      %dma_wait3A_357 = tpu.memref_slice %arg2[%arg1, %dma_wait3A_355, %dma_wait3A_356] : memref<16x250x80xi32, #tpu.memory_space<hbm>> -> memref<1x250x80xi32, #tpu.memory_space<hbm>>
      %dma_wait3A_358 = tpu.memref_squeeze %dma_wait3A_357 : memref<1x250x80xi32, #tpu.memory_space<hbm>> -> memref<250x80xi32, #tpu.memory_space<hbm>>
      tpu.wait_dma2 semaphore(%run_scoped3A : memref<!tpu.dma_semaphore, #tpu.memory_space<semaphore_mem>>) src(%dma_wait3A_358 : memref<250x80xi32, #tpu.memory_space<hbm>>) dst(%arg7 : memref<250x80xi32, #tpu.memory_space<vmem>>)
      tpu.yield
    }) : () -> ()
    %get3A = arith.constant 0 : i32
    %get3A_12 = arith.index_cast %get3A : i32 to index
    %get3A_13 = arith.constant 0 : index
    %get3A_14 = tpu.vector_load %arg6[%get3A_12, %get3A_13] {strides = array<i32>} : memref<250x80xi32, #tpu.memory_space<vmem>>, vector<1x16xi32>,
    %get3A_15 = vector.shape_cast %get3A_14 : vector<1x16xi32> to vector<16xi32>
    %mul3A = arith.constant 2 : i32
    %mul3A_16 = vector.broadcast %mul3A : i32 to vector<16xi32>
    %mul3A_17 = arith.muli %get3A_15, %mul3A_16 : vector<16xi32>
    %add3A = vector.broadcast %arg0 : i32 to vector<16xi32>
    %add3A_18 = arith.addi %mul3A_17, %add3A : vector<16xi32>
    %swap3A = arith.constant 0 : i32
    %swap3A_19 = arith.index_cast %swap3A : i32 to index
    %swap3A_20 = arith.constant 0 : index
    %swap3A_21 = tpu.vector_load %arg6[%swap3A_19, %swap3A_20] {strides = array<i32>} : memref<250x80xi32, #tpu.memory_space<vmem>>, vector<1x16xi32>,
    %swap3A_22 = vector.shape_cast %swap3A_21 : vector<1x16xi32> to vector<16xi32>
    %swap3A_23 = vector.shape_cast %add3A_18 : vector<16xi32> to vector<1x16xi32>
    tpu.vector_store %arg6[%swap3A_19, %swap3A_20], %swap3A_23 {strides = array<i32>} : memref<250x80xi32, #tpu.memory_space<vmem>>, vector<1x16xi32>,
    %get3A_24 = arith.constant 0 : i32
    %get3A_25 = arith.index_cast %get3A_24 : i32 to index
    %get3A_26 = arith.constant 16 : index
    %get3A_27 = tpu.vector_load %arg6[%get3A_25, %get3A_26] {strides = array<i32>} : memref<250x80xi32, #tpu.memory_space<vmem>>, vector<1x16xi32>,
    %get3A_28 = vector.shape_cast %get3A_27 : vector<1x16xi32> to vector<16xi32>
    %mul3A_29 = arith.constant 2 : i32
    %mul3A_30 = vector.broadcast %mul3A_29 : i32 to vector<16xi32>
    %mul3A_31 = arith.muli %get3A_28, %mul3A_30 : vector<16xi32>
    %add3A_32 = vector.broadcast %arg0 : i32 to vector<16xi32>
    %add3A_33 = arith.addi %mul3A_31, %add3A_32 : vector<16xi32>
    %swap3A_34 = arith.constant 0 : i32
    %swap3A_35 = arith.index_cast %swap3A_34 : i32 to index
    %swap3A_36 = arith.constant 16 : index
    %swap3A_37 = tpu.vector_load %arg6[%swap3A_35, %swap3A_36] {strides = array<i32>} : memref<250x80xi32, #tpu.memory_space<vmem>>, vector<1x16xi32>,
    %swap3A_38 = vector.shape_cast %swap3A_37 : vector<1x16xi32> to vector<16xi32>
    %swap3A_39 = vector.shape_cast %add3A_33 : vector<16xi32> to vector<1x16xi32>
    tpu.vector_store %arg6[%swap3A_35, %swap3A_36], %swap3A_39 {strides = array<i32>} : memref<250x80xi32, #tpu.memory_space<vmem>>, vector<1x16xi32>,
    %get3A_40 = arith.constant 0 : i32
    %get3A_41 = arith.index_cast %get3A_40 : i32 to index
    %get3A_42 = arith.constant 32 : index
    %get3A_43 = tpu.vector_load %arg6[%get3A_41, %get3A_42] {strides = array<i32>} : memref<250x80xi32, #tpu.memory_space<vmem>>, vector<1x16xi32>,
    %get3A_44 = vector.shape_cast %get3A_43 : vector<1x16xi32> to vector<16xi32>
    %mul3A_45 = arith.constant 2 : i32
    %mul3A_46 = vector.broadcast %mul3A_45 : i32 to vector<16xi32>
    %mul3A_47 = arith.muli %get3A_44, %mul3A_46 : vector<16xi32>
    %add3A_48 = vector.broadcast %arg0 : i32 to vector<16xi32>
    %add3A_49 = arith.addi %mul3A_47, %add3A_48 : vector<16xi32>
    %swap3A_50 = arith.constant 0 : i32
    %swap3A_51 = arith.index_cast %swap3A_50 : i32 to index
    %swap3A_52 = arith.constant 32 : index
    %swap3A_53 = tpu.vector_load %arg6[%swap3A_51, %swap3A_52] {strides = array<i32>} : memref<250x80xi32, #tpu.memory_space<vmem>>, vector<1x16xi32>,
    %swap3A_54 = vector.shape_cast %swap3A_53 : vector<1x16xi32> to vector<16xi32>
    %swap3A_55 = vector.shape_cast %add3A_49 : vector<16xi32> to vector<1x16xi32>
    tpu.vector_store %arg6[%swap3A_51, %swap3A_52], %swap3A_55 {strides = array<i32>} : memref<250x80xi32, #tpu.memory_space<vmem>>, vector<1x16xi32>,
    %get3A_56 = arith.constant 0 : i32
    %get3A_57 = arith.index_cast %get3A_56 : i32 to index
    %get3A_58 = arith.constant 48 : index
    %get3A_59 = tpu.vector_load %arg6[%get3A_57, %get3A_58] {strides = array<i32>} : memref<250x80xi32, #tpu.memory_space<vmem>>, vector<1x16xi32>,
    %get3A_60 = vector.shape_cast %get3A_59 : vector<1x16xi32> to vector<16xi32>
    %mul3A_61 = arith.constant 2 : i32
    %mul3A_62 = vector.broadcast %mul3A_61 : i32 to vector<16xi32>
    %mul3A_63 = arith.muli %get3A_60, %mul3A_62 : vector<16xi32>
    %add3A_64 = vector.broadcast %arg0 : i32 to vector<16xi32>
    %add3A_65 = arith.addi %mul3A_63, %add3A_64 : vector<16xi32>
    %swap3A_66 = arith.constant 0 : i32
    %swap3A_67 = arith.index_cast %swap3A_66 : i32 to index
    %swap3A_68 = arith.constant 48 : index
    %swap3A_69 = tpu.vector_load %arg6[%swap3A_67, %swap3A_68] {strides = array<i32>} : memref<250x80xi32, #tpu.memory_space<vmem>>, vector<1x16xi32>,
    %swap3A_70 = vector.shape_cast %swap3A_69 : vector<1x16xi32> to vector<16xi32>
    %swap3A_71 = vector.shape_cast %add3A_65 : vector<16xi32> to vector<1x16xi32>
    tpu.vector_store %arg6[%swap3A_67, %swap3A_68], %swap3A_71 {strides = array<i32>} : memref<250x80xi32, #tpu.memory_space<vmem>>, vector<1x16xi32>,
    %get3A_72 = arith.constant 0 : i32
    %get3A_73 = arith.index_cast %get3A_72 : i32 to index
    %get3A_74 = arith.constant 64 : index
    %get3A_75 = tpu.vector_load %arg6[%get3A_73, %get3A_74] {strides = array<i32>} : memref<250x80xi32, #tpu.memory_space<vmem>>, vector<1x16xi32>,
    %get3A_76 = vector.shape_cast %get3A_75 : vector<1x16xi32> to vector<16xi32>
    %mul3A_77 = arith.constant 2 : i32
    %mul3A_78 = vector.broadcast %mul3A_77 : i32 to vector<16xi32>
    %mul3A_79 = arith.muli %get3A_76, %mul3A_78 : vector<16xi32>
    %add3A_80 = vector.broadcast %arg0 : i32 to vector<16xi32>
    %add3A_81 = arith.addi %mul3A_79, %add3A_80 : vector<16xi32>
    %swap3A_82 = arith.constant 0 : i32
    %swap3A_83 = arith.index_cast %swap3A_82 : i32 to index
    %swap3A_84 = arith.constant 64 : index
    %swap3A_85 = tpu.vector_load %arg6[%swap3A_83, %swap3A_84] {strides = array<i32>} : memref<250x80xi32, #tpu.memory_space<vmem>>, vector<1x16xi32>,
    %swap3A_86 = vector.shape_cast %swap3A_85 : vector<1x16xi32> to vector<16xi32>
    %swap3A_87 = vector.shape_cast %add3A_81 : vector<16xi32> to vector<1x16xi32>
    tpu.vector_store %arg6[%swap3A_83, %swap3A_84], %swap3A_87 {strides = array<i32>} : memref<250x80xi32, #tpu.memory_space<vmem>>, vector<1x16xi32>,
    %dma_start3A = arith.constant 0 : i32
    %dma_start3A_88 = arith.constant 0 : i32
    %dma_start3A_89 = arith.constant 0 : i32
    %dma_start3A_90 = arith.constant 0 : i32
    %dma_start3A_91 = tpu.memref_slice %arg8[%dma_start3A_88, %dma_start3A_89, %dma_start3A_90] : memref<4x80x64xf32, #tpu.memory_space<vmem>> -> memref<1x80x64xf32, #tpu.memory_space<vmem>>
    %dma_start3A_92 = tpu.memref_squeeze %dma_start3A_91 : memref<1x80x64xf32, #tpu.memory_space<vmem>> -> memref<80x64xf32, #tpu.memory_space<vmem>>
    %dma_start3A_93 = arith.constant 0 : i32
    %dma_start3A_94 = tpu.memref_slice %arg6[%dma_start3A, %dma_start3A_93] : memref<250x80xi32, #tpu.memory_space<vmem>> -> memref<1x80xi32, #tpu.memory_space<vmem>>
    %dma_start3A_95 = tpu.memref_squeeze %dma_start3A_94 : memref<1x80xi32, #tpu.memory_space<vmem>> -> memref<80xi32, #tpu.memory_space<vmem>>
    %dma_start3A_96 = arith.constant 0 : i32
    %dma_start3A_97 = arith.constant 0 : i32
    %dma_start3A_98 = tpu.memref_slice %arg4[%dma_start3A_96, %dma_start3A_97] : memref<20000x64xf32, #tpu.memory_space<hbm>> -> memref<20000x64xf32, #tpu.memory_space<hbm>>
    tpu.enqueue_indirect_dma source(%dma_start3A_98 : memref<20000x64xf32, #tpu.memory_space<hbm>>) target(%dma_start3A_92 : memref<80x64xf32, #tpu.memory_space<vmem>>) offsets(%dma_start3A_95 : memref<80xi32, #tpu.memory_space<vmem>>) semaphore(%arg10 : memref<!tpu.dma_semaphore, #tpu.memory_space<semaphore_mem>>)
    %get3A_99 = arith.constant 1 : i32
    %get3A_100 = arith.index_cast %get3A_99 : i32 to index
    %get3A_101 = arith.constant 0 : index
    %get3A_102 = tpu.vector_load %arg6[%get3A_100, %get3A_101] {strides = array<i32>} : memref<250x80xi32, #tpu.memory_space<vmem>>, vector<1x16xi32>,
    %get3A_103 = vector.shape_cast %get3A_102 : vector<1x16xi32> to vector<16xi32>
    %mul3A_104 = arith.constant 2 : i32
    %mul3A_105 = vector.broadcast %mul3A_104 : i32 to vector<16xi32>
    %mul3A_106 = arith.muli %get3A_103, %mul3A_105 : vector<16xi32>
    %add3A_107 = vector.broadcast %arg0 : i32 to vector<16xi32>
    %add3A_108 = arith.addi %mul3A_106, %add3A_107 : vector<16xi32>
    %swap3A_109 = arith.constant 1 : i32
    %swap3A_110 = arith.index_cast %swap3A_109 : i32 to index
    %swap3A_111 = arith.constant 0 : index
    %swap3A_112 = tpu.vector_load %arg6[%swap3A_110, %swap3A_111] {strides = array<i32>} : memref<250x80xi32, #tpu.memory_space<vmem>>, vector<1x16xi32>,
    %swap3A_113 = vector.shape_cast %swap3A_112 : vector<1x16xi32> to vector<16xi32>
    %swap3A_114 = vector.shape_cast %add3A_108 : vector<16xi32> to vector<1x16xi32>
    tpu.vector_store %arg6[%swap3A_110, %swap3A_111], %swap3A_114 {strides = array<i32>} : memref<250x80xi32, #tpu.memory_space<vmem>>, vector<1x16xi32>,
    %get3A_115 = arith.constant 1 : i32
    %get3A_116 = arith.index_cast %get3A_115 : i32 to index
    %get3A_117 = arith.constant 16 : index
    %get3A_118 = tpu.vector_load %arg6[%get3A_116, %get3A_117] {strides = array<i32>} : memref<250x80xi32, #tpu.memory_space<vmem>>, vector<1x16xi32>,
    %get3A_119 = vector.shape_cast %get3A_118 : vector<1x16xi32> to vector<16xi32>
    %mul3A_120 = arith.constant 2 : i32
    %mul3A_121 = vector.broadcast %mul3A_120 : i32 to vector<16xi32>
    %mul3A_122 = arith.muli %get3A_119, %mul3A_121 : vector<16xi32>
    %add3A_123 = vector.broadcast %arg0 : i32 to vector<16xi32>
    %add3A_124 = arith.addi %mul3A_122, %add3A_123 : vector<16xi32>
    %swap3A_125 = arith.constant 1 : i32
    %swap3A_126 = arith.index_cast %swap3A_125 : i32 to index
    %swap3A_127 = arith.constant 16 : index
    %swap3A_128 = tpu.vector_load %arg6[%swap3A_126, %swap3A_127] {strides = array<i32>} : memref<250x80xi32, #tpu.memory_space<vmem>>, vector<1x16xi32>,
    %swap3A_129 = vector.shape_cast %swap3A_128 : vector<1x16xi32> to vector<16xi32>
    %swap3A_130 = vector.shape_cast %add3A_124 : vector<16xi32> to vector<1x16xi32>
    tpu.vector_store %arg6[%swap3A_126, %swap3A_127], %swap3A_130 {strides = array<i32>} : memref<250x80xi32, #tpu.memory_space<vmem>>, vector<1x16xi32>,
    %get3A_131 = arith.constant 1 : i32
    %get3A_132 = arith.index_cast %get3A_131 : i32 to index
    %get3A_133 = arith.constant 32 : index
    %get3A_134 = tpu.vector_load %arg6[%get3A_132, %get3A_133] {strides = array<i32>} : memref<250x80xi32, #tpu.memory_space<vmem>>, vector<1x16xi32>,
    %get3A_135 = vector.shape_cast %get3A_134 : vector<1x16xi32> to vector<16xi32>
    %mul3A_136 = arith.constant 2 : i32
    %mul3A_137 = vector.broadcast %mul3A_136 : i32 to vector<16xi32>
    %mul3A_138 = arith.muli %get3A_135, %mul3A_137 : vector<16xi32>
    %add3A_139 = vector.broadcast %arg0 : i32 to vector<16xi32>
    %add3A_140 = arith.addi %mul3A_138, %add3A_139 : vector<16xi32>
    %swap3A_141 = arith.constant 1 : i32
    %swap3A_142 = arith.index_cast %swap3A_141 : i32 to index
    %swap3A_143 = arith.constant 32 : index
    %swap3A_144 = tpu.vector_load %arg6[%swap3A_142, %swap3A_143] {strides = array<i32>} : memref<250x80xi32, #tpu.memory_space<vmem>>, vector<1x16xi32>,
    %swap3A_145 = vector.shape_cast %swap3A_144 : vector<1x16xi32> to vector<16xi32>
    %swap3A_146 = vector.shape_cast %add3A_140 : vector<16xi32> to vector<1x16xi32>
    tpu.vector_store %arg6[%swap3A_142, %swap3A_143], %swap3A_146 {strides = array<i32>} : memref<250x80xi32, #tpu.memory_space<vmem>>, vector<1x16xi32>,
    %get3A_147 = arith.constant 1 : i32
    %get3A_148 = arith.index_cast %get3A_147 : i32 to index
    %get3A_149 = arith.constant 48 : index
    %get3A_150 = tpu.vector_load %arg6[%get3A_148, %get3A_149] {strides = array<i32>} : memref<250x80xi32, #tpu.memory_space<vmem>>, vector<1x16xi32>,
    %get3A_151 = vector.shape_cast %get3A_150 : vector<1x16xi32> to vector<16xi32>
    %mul3A_152 = arith.constant 2 : i32
    %mul3A_153 = vector.broadcast %mul3A_152 : i32 to vector<16xi32>
    %mul3A_154 = arith.muli %get3A_151, %mul3A_153 : vector<16xi32>
    %add3A_155 = vector.broadcast %arg0 : i32 to vector<16xi32>
    %add3A_156 = arith.addi %mul3A_154, %add3A_155 : vector<16xi32>
    %swap3A_157 = arith.constant 1 : i32
    %swap3A_158 = arith.index_cast %swap3A_157 : i32 to index
    %swap3A_159 = arith.constant 48 : index
    %swap3A_160 = tpu.vector_load %arg6[%swap3A_158, %swap3A_159] {strides = array<i32>} : memref<250x80xi32, #tpu.memory_space<vmem>>, vector<1x16xi32>,
    %swap3A_161 = vector.shape_cast %swap3A_160 : vector<1x16xi32> to vector<16xi32>
    %swap3A_162 = vector.shape_cast %add3A_156 : vector<16xi32> to vector<1x16xi32>
    tpu.vector_store %arg6[%swap3A_158, %swap3A_159], %swap3A_162 {strides = array<i32>} : memref<250x80xi32, #tpu.memory_space<vmem>>, vector<1x16xi32>,
    %get3A_163 = arith.constant 1 : i32
    %get3A_164 = arith.index_cast %get3A_163 : i32 to index
    %get3A_165 = arith.constant 64 : index
    %get3A_166 = tpu.vector_load %arg6[%get3A_164, %get3A_165] {strides = array<i32>} : memref<250x80xi32, #tpu.memory_space<vmem>>, vector<1x16xi32>,
    %get3A_167 = vector.shape_cast %get3A_166 : vector<1x16xi32> to vector<16xi32>
    %mul3A_168 = arith.constant 2 : i32
    %mul3A_169 = vector.broadcast %mul3A_168 : i32 to vector<16xi32>
    %mul3A_170 = arith.muli %get3A_167, %mul3A_169 : vector<16xi32>
    %add3A_171 = vector.broadcast %arg0 : i32 to vector<16xi32>
    %add3A_172 = arith.addi %mul3A_170, %add3A_171 : vector<16xi32>
    %swap3A_173 = arith.constant 1 : i32
    %swap3A_174 = arith.index_cast %swap3A_173 : i32 to index
    %swap3A_175 = arith.constant 64 : index
    %swap3A_176 = tpu.vector_load %arg6[%swap3A_174, %swap3A_175] {strides = array<i32>} : memref<250x80xi32, #tpu.memory_space<vmem>>, vector<1x16xi32>,
    %swap3A_177 = vector.shape_cast %swap3A_176 : vector<1x16xi32> to vector<16xi32>
    %swap3A_178 = vector.shape_cast %add3A_172 : vector<16xi32> to vector<1x16xi32>
    tpu.vector_store %arg6[%swap3A_174, %swap3A_175], %swap3A_178 {strides = array<i32>} : memref<250x80xi32, #tpu.memory_space<vmem>>, vector<1x16xi32>,
    %dma_start3A_179 = arith.constant 1 : i32
    %dma_start3A_180 = arith.constant 1 : i32
    %dma_start3A_181 = arith.constant 0 : i32
    %dma_start3A_182 = arith.constant 0 : i32
    %dma_start3A_183 = tpu.memref_slice %arg8[%dma_start3A_180, %dma_start3A_181, %dma_start3A_182] : memref<4x80x64xf32, #tpu.memory_space<vmem>> -> memref<1x80x64xf32, #tpu.memory_space<vmem>>
    %dma_start3A_184 = tpu.memref_squeeze %dma_start3A_183 : memref<1x80x64xf32, #tpu.memory_space<vmem>> -> memref<80x64xf32, #tpu.memory_space<vmem>>
    %dma_start3A_185 = arith.constant 0 : i32
    %dma_start3A_186 = tpu.memref_slice %arg6[%dma_start3A_179, %dma_start3A_185] : memref<250x80xi32, #tpu.memory_space<vmem>> -> memref<1x80xi32, #tpu.memory_space<vmem>>
    %dma_start3A_187 = tpu.memref_squeeze %dma_start3A_186 : memref<1x80xi32, #tpu.memory_space<vmem>> -> memref<80xi32, #tpu.memory_space<vmem>>
    %dma_start3A_188 = arith.constant 0 : i32
    %dma_start3A_189 = arith.constant 0 : i32
    %dma_start3A_190 = tpu.memref_slice %arg4[%dma_start3A_188, %dma_start3A_189] : memref<20000x64xf32, #tpu.memory_space<hbm>> -> memref<20000x64xf32, #tpu.memory_space<hbm>>
    tpu.enqueue_indirect_dma source(%dma_start3A_190 : memref<20000x64xf32, #tpu.memory_space<hbm>>) target(%dma_start3A_184 : memref<80x64xf32, #tpu.memory_space<vmem>>) offsets(%dma_start3A_187 : memref<80xi32, #tpu.memory_space<vmem>>) semaphore(%arg10 : memref<!tpu.dma_semaphore, #tpu.memory_space<semaphore_mem>>)
    %get3A_191 = arith.constant 2 : i32
    %get3A_192 = arith.index_cast %get3A_191 : i32 to index
    %get3A_193 = arith.constant 0 : index
    %get3A_194 = tpu.vector_load %arg6[%get3A_192, %get3A_193] {strides = array<i32>} : memref<250x80xi32, #tpu.memory_space<vmem>>, vector<1x16xi32>,
    %get3A_195 = vector.shape_cast %get3A_194 : vector<1x16xi32> to vector<16xi32>
    %mul3A_196 = arith.constant 2 : i32
    %mul3A_197 = vector.broadcast %mul3A_196 : i32 to vector<16xi32>
    %mul3A_198 = arith.muli %get3A_195, %mul3A_197 : vector<16xi32>
    %add3A_199 = vector.broadcast %arg0 : i32 to vector<16xi32>
    %add3A_200 = arith.addi %mul3A_198, %add3A_199 : vector<16xi32>
    %swap3A_201 = arith.constant 2 : i32
    %swap3A_202 = arith.index_cast %swap3A_201 : i32 to index
    %swap3A_203 = arith.constant 0 : index
    %swap3A_204 = tpu.vector_load %arg6[%swap3A_202, %swap3A_203] {strides = array<i32>} : memref<250x80xi32, #tpu.memory_space<vmem>>, vector<1x16xi32>,
    %swap3A_205 = vector.shape_cast %swap3A_204 : vector<1x16xi32> to vector<16xi32>
    %swap3A_206 = vector.shape_cast %add3A_200 : vector<16xi32> to vector<1x16xi32>
    tpu.vector_store %arg6[%swap3A_202, %swap3A_203], %swap3A_206 {strides = array<i32>} : memref<250x80xi32, #tpu.memory_space<vmem>>, vector<1x16xi32>,
    %get3A_207 = arith.constant 2 : i32
    %get3A_208 = arith.index_cast %get3A_207 : i32 to index
    %get3A_209 = arith.constant 16 : index
    %get3A_210 = tpu.vector_load %arg6[%get3A_208, %get3A_209] {strides = array<i32>} : memref<250x80xi32, #tpu.memory_space<vmem>>, vector<1x16xi32>,
    %get3A_211 = vector.shape_cast %get3A_210 : vector<1x16xi32> to vector<16xi32>
    %mul3A_212 = arith.constant 2 : i32
    %mul3A_213 = vector.broadcast %mul3A_212 : i32 to vector<16xi32>
    %mul3A_214 = arith.muli %get3A_211, %mul3A_213 : vector<16xi32>
    %add3A_215 = vector.broadcast %arg0 : i32 to vector<16xi32>
    %add3A_216 = arith.addi %mul3A_214, %add3A_215 : vector<16xi32>
    %swap3A_217 = arith.constant 2 : i32
    %swap3A_218 = arith.index_cast %swap3A_217 : i32 to index
    %swap3A_219 = arith.constant 16 : index
    %swap3A_220 = tpu.vector_load %arg6[%swap3A_218, %swap3A_219] {strides = array<i32>} : memref<250x80xi32, #tpu.memory_space<vmem>>, vector<1x16xi32>,
    %swap3A_221 = vector.shape_cast %swap3A_220 : vector<1x16xi32> to vector<16xi32>
    %swap3A_222 = vector.shape_cast %add3A_216 : vector<16xi32> to vector<1x16xi32>
    tpu.vector_store %arg6[%swap3A_218, %swap3A_219], %swap3A_222 {strides = array<i32>} : memref<250x80xi32, #tpu.memory_space<vmem>>, vector<1x16xi32>,
    %get3A_223 = arith.constant 2 : i32
    %get3A_224 = arith.index_cast %get3A_223 : i32 to index
    %get3A_225 = arith.constant 32 : index
    %get3A_226 = tpu.vector_load %arg6[%get3A_224, %get3A_225] {strides = array<i32>} : memref<250x80xi32, #tpu.memory_space<vmem>>, vector<1x16xi32>,
    %get3A_227 = vector.shape_cast %get3A_226 : vector<1x16xi32> to vector<16xi32>
    %mul3A_228 = arith.constant 2 : i32
    %mul3A_229 = vector.broadcast %mul3A_228 : i32 to vector<16xi32>
    %mul3A_230 = arith.muli %get3A_227, %mul3A_229 : vector<16xi32>
    %add3A_231 = vector.broadcast %arg0 : i32 to vector<16xi32>
    %add3A_232 = arith.addi %mul3A_230, %add3A_231 : vector<16xi32>
    %swap3A_233 = arith.constant 2 : i32
    %swap3A_234 = arith.index_cast %swap3A_233 : i32 to index
    %swap3A_235 = arith.constant 32 : index
    %swap3A_236 = tpu.vector_load %arg6[%swap3A_234, %swap3A_235] {strides = array<i32>} : memref<250x80xi32, #tpu.memory_space<vmem>>, vector<1x16xi32>,
    %swap3A_237 = vector.shape_cast %swap3A_236 : vector<1x16xi32> to vector<16xi32>
    %swap3A_238 = vector.shape_cast %add3A_232 : vector<16xi32> to vector<1x16xi32>
    tpu.vector_store %arg6[%swap3A_234, %swap3A_235], %swap3A_238 {strides = array<i32>} : memref<250x80xi32, #tpu.memory_space<vmem>>, vector<1x16xi32>,
    %get3A_239 = arith.constant 2 : i32
    %get3A_240 = arith.index_cast %get3A_239 : i32 to index
    %get3A_241 = arith.constant 48 : index
    %get3A_242 = tpu.vector_load %arg6[%get3A_240, %get3A_241] {strides = array<i32>} : memref<250x80xi32, #tpu.memory_space<vmem>>, vector<1x16xi32>,
    %get3A_243 = vector.shape_cast %get3A_242 : vector<1x16xi32> to vector<16xi32>
    %mul3A_244 = arith.constant 2 : i32
    %mul3A_245 = vector.broadcast %mul3A_244 : i32 to vector<16xi32>
    %mul3A_246 = arith.muli %get3A_243, %mul3A_245 : vector<16xi32>
    %add3A_247 = vector.broadcast %arg0 : i32 to vector<16xi32>
    %add3A_248 = arith.addi %mul3A_246, %add3A_247 : vector<16xi32>
    %swap3A_249 = arith.constant 2 : i32
    %swap3A_250 = arith.index_cast %swap3A_249 : i32 to index
    %swap3A_251 = arith.constant 48 : index
    %swap3A_252 = tpu.vector_load %arg6[%swap3A_250, %swap3A_251] {strides = array<i32>} : memref<250x80xi32, #tpu.memory_space<vmem>>, vector<1x16xi32>,
    %swap3A_253 = vector.shape_cast %swap3A_252 : vector<1x16xi32> to vector<16xi32>
    %swap3A_254 = vector.shape_cast %add3A_248 : vector<16xi32> to vector<1x16xi32>
    tpu.vector_store %arg6[%swap3A_250, %swap3A_251], %swap3A_254 {strides = array<i32>} : memref<250x80xi32, #tpu.memory_space<vmem>>, vector<1x16xi32>,
    %get3A_255 = arith.constant 2 : i32
    %get3A_256 = arith.index_cast %get3A_255 : i32 to index
    %get3A_257 = arith.constant 64 : index
    %get3A_258 = tpu.vector_load %arg6[%get3A_256, %get3A_257] {strides = array<i32>} : memref<250x80xi32, #tpu.memory_space<vmem>>, vector<1x16xi32>,
    %get3A_259 = vector.shape_cast %get3A_258 : vector<1x16xi32> to vector<16xi32>
    %mul3A_260 = arith.constant 2 : i32
    %mul3A_261 = vector.broadcast %mul3A_260 : i32 to vector<16xi32>
    %mul3A_262 = arith.muli %get3A_259, %mul3A_261 : vector<16xi32>
    %add3A_263 = vector.broadcast %arg0 : i32 to vector<16xi32>
    %add3A_264 = arith.addi %mul3A_262, %add3A_263 : vector<16xi32>
    %swap3A_265 = arith.constant 2 : i32
    %swap3A_266 = arith.index_cast %swap3A_265 : i32 to index
    %swap3A_267 = arith.constant 64 : index
    %swap3A_268 = tpu.vector_load %arg6[%swap3A_266, %swap3A_267] {strides = array<i32>} : memref<250x80xi32, #tpu.memory_space<vmem>>, vector<1x16xi32>,
    %swap3A_269 = vector.shape_cast %swap3A_268 : vector<1x16xi32> to vector<16xi32>
    %swap3A_270 = vector.shape_cast %add3A_264 : vector<16xi32> to vector<1x16xi32>
    tpu.vector_store %arg6[%swap3A_266, %swap3A_267], %swap3A_270 {strides = array<i32>} : memref<250x80xi32, #tpu.memory_space<vmem>>, vector<1x16xi32>,
    %dma_start3A_271 = arith.constant 2 : i32
    %dma_start3A_272 = arith.constant 2 : i32
    %dma_start3A_273 = arith.constant 0 : i32
    %dma_start3A_274 = arith.constant 0 : i32
    %dma_start3A_275 = tpu.memref_slice %arg8[%dma_start3A_272, %dma_start3A_273, %dma_start3A_274] : memref<4x80x64xf32, #tpu.memory_space<vmem>> -> memref<1x80x64xf32, #tpu.memory_space<vmem>>
    %dma_start3A_276 = tpu.memref_squeeze %dma_start3A_275 : memref<1x80x64xf32, #tpu.memory_space<vmem>> -> memref<80x64xf32, #tpu.memory_space<vmem>>
    %dma_start3A_277 = arith.constant 0 : i32
    %dma_start3A_278 = tpu.memref_slice %arg6[%dma_start3A_271, %dma_start3A_277] : memref<250x80xi32, #tpu.memory_space<vmem>> -> memref<1x80xi32, #tpu.memory_space<vmem>>
    %dma_start3A_279 = tpu.memref_squeeze %dma_start3A_278 : memref<1x80xi32, #tpu.memory_space<vmem>> -> memref<80xi32, #tpu.memory_space<vmem>>
    %dma_start3A_280 = arith.constant 0 : i32
    %dma_start3A_281 = arith.constant 0 : i32
    %dma_start3A_282 = tpu.memref_slice %arg4[%dma_start3A_280, %dma_start3A_281] : memref<20000x64xf32, #tpu.memory_space<hbm>> -> memref<20000x64xf32, #tpu.memory_space<hbm>>
    tpu.enqueue_indirect_dma source(%dma_start3A_282 : memref<20000x64xf32, #tpu.memory_space<hbm>>) target(%dma_start3A_276 : memref<80x64xf32, #tpu.memory_space<vmem>>) offsets(%dma_start3A_279 : memref<80xi32, #tpu.memory_space<vmem>>) semaphore(%arg10 : memref<!tpu.dma_semaphore, #tpu.memory_space<semaphore_mem>>)
    %scan3A_283 = arith.constant 0 : i32
    %scan3A_284 = arith.constant 0 : i32
    %scan3A_285 = arith.constant 250 : i32
    %scan3A_286 = arith.addi %scan3A_284, %scan3A_285 : i32
    %scan3A_287 = arith.constant 1 : i32
    scf.for %scan3A_343 = %scan3A_284 to %scan3A_286 step %scan3A_287  : i32 {
      %jit3A = arith.constant 4 : i32
      %eq3A = arith.constant 0 : i32
      %eq3A_344 = arith.cmpi eq, %jit3A, %eq3A : i32
      %jit3A_345 = arith.constant 1 : i32
      %select_n3A = arith.select %eq3A_344, %jit3A_345, %jit3A : i32
      %rem3A = arith.remsi %scan3A_343, %select_n3A : i32
      %ne3A = arith.constant 0 : i32
      %ne3A_346 = arith.cmpi ne, %rem3A, %ne3A : i32
      %lt3A = arith.constant 0 : i32
      %lt3A_347 = arith.cmpi slt, %rem3A, %lt3A : i32
      %lt3A_348 = arith.constant 0 : i32
      %lt3A_349 = arith.cmpi slt, %select_n3A, %lt3A_348 : i32
      %ne3A_350 = arith.xori %lt3A_347, %lt3A_349 : i1
      %and3A = arith.andi %ne3A_350, %ne3A_346 : i1
      %add3A_351 = arith.addi %rem3A, %select_n3A : i32
      %select_n3A_352 = arith.select %and3A, %add3A_351, %rem3A : i32
      %ge3A = arith.constant 1 : i32
      %ge3A_353 = arith.cmpi sge, %scan3A_343, %ge3A : i32
      %add3A_354 = arith.constant 4 : i32
      %add3A_355 = arith.addi %scan3A_343, %add3A_354 : i32
      %sub3A = arith.constant 1 : i32
      %sub3A_356 = arith.subi %add3A_355, %sub3A : i32
      %lt3A_357 = arith.constant 250 : i32
      %lt3A_358 = arith.cmpi slt, %sub3A_356, %lt3A_357 : i32
      %and3A_359 = arith.andi %ge3A_353, %lt3A_358 : i1
      %convert_element_type3A = arith.extui %and3A_359 : i1 to i32
      %cond3A = arith.constant 0 : i32
      %cond3A_360 = arith.cmpi ne, %convert_element_type3A, %cond3A : i32
      scf.if %cond3A_360 {
        %sub3A_390 = arith.constant 1 : i32
        %sub3A_391 = arith.subi %scan3A_343, %sub3A_390 : i32
        %jit3A_392 = arith.constant 4 : i32
        %eq3A_393 = arith.constant 0 : i32
        %eq3A_394 = arith.cmpi eq, %jit3A_392, %eq3A_393 : i32
        %jit3A_395 = arith.constant 1 : i32
        %select_n3A_396 = arith.select %eq3A_394, %jit3A_395, %jit3A_392 : i32
        %rem3A_397 = arith.remsi %sub3A_391, %select_n3A_396 : i32
        %ne3A_398 = arith.constant 0 : i32
        %ne3A_399 = arith.cmpi ne, %rem3A_397, %ne3A_398 : i32
        %lt3A_400 = arith.constant 0 : i32
        %lt3A_401 = arith.cmpi slt, %rem3A_397, %lt3A_400 : i32
        %lt3A_402 = arith.constant 0 : i32
        %lt3A_403 = arith.cmpi slt, %select_n3A_396, %lt3A_402 : i32
        %ne3A_404 = arith.xori %lt3A_401, %lt3A_403 : i1
        %and3A_405 = arith.andi %ne3A_404, %ne3A_399 : i1
        %add3A_406 = arith.addi %rem3A_397, %select_n3A_396 : i32
        %select_n3A_407 = arith.select %and3A_405, %add3A_406, %rem3A_397 : i32
        %sub3A_408 = arith.constant 1 : i32
        %sub3A_409 = arith.subi %scan3A_343, %sub3A_408 : i32
        %dma_wait3A_410 = arith.constant 0 : i32
        %dma_wait3A_411 = arith.constant 0 : i32
        %dma_wait3A_412 = tpu.memref_slice %arg8[%select_n3A_407, %dma_wait3A_410, %dma_wait3A_411] : memref<4x80x64xf32, #tpu.memory_space<vmem>> -> memref<1x80x64xf32, #tpu.memory_space<vmem>>
        %dma_wait3A_413 = tpu.memref_squeeze %dma_wait3A_412 : memref<1x80x64xf32, #tpu.memory_space<vmem>> -> memref<80x64xf32, #tpu.memory_space<vmem>>
        %dma_wait3A_414 = arith.constant 0 : i32
        %dma_wait3A_415 = tpu.memref_slice %arg7[%sub3A_409, %dma_wait3A_414] : memref<250x80xi32, #tpu.memory_space<vmem>> -> memref<1x80xi32, #tpu.memory_space<vmem>>
        %dma_wait3A_416 = tpu.memref_squeeze %dma_wait3A_415 : memref<1x80xi32, #tpu.memory_space<vmem>> -> memref<80xi32, #tpu.memory_space<vmem>>
        %dma_wait3A_417 = arith.constant 0 : i32
        %dma_wait3A_418 = arith.constant 0 : i32
        %dma_wait3A_419 = tpu.memref_slice %arg9[%dma_wait3A_417, %dma_wait3A_418] : memref<10240x64xf32, #tpu.memory_space<vmem_shared>> -> memref<10240x64xf32, #tpu.memory_space<vmem_shared>>
        tpu.wait_indirect_dma semaphore(%arg11 : memref<!tpu.dma_semaphore, #tpu.memory_space<semaphore_mem>>) src(%dma_wait3A_413 : memref<80x64xf32, #tpu.memory_space<vmem>>) dst(%dma_wait3A_419 : memref<10240x64xf32, #tpu.memory_space<vmem_shared>>)
      } else {
      }
      %add3A_361 = arith.constant 4 : i32
      %add3A_362 = arith.addi %scan3A_343, %add3A_361 : i32
      %sub3A_363 = arith.constant 1 : i32
      %sub3A_364 = arith.subi %add3A_362, %sub3A_363 : i32
      %lt3A_365 = arith.constant 250 : i32
      %lt3A_366 = arith.cmpi slt, %sub3A_364, %lt3A_365 : i32
      %convert_element_type3A_367 = arith.extui %lt3A_366 : i1 to i32
      %cond3A_368 = arith.constant 0 : i32
      %cond3A_369 = arith.cmpi ne, %convert_element_type3A_367, %cond3A_368 : i32
      scf.if %cond3A_369 {
        %add3A_390 = arith.constant 4 : i32
        %add3A_391 = arith.addi %scan3A_343, %add3A_390 : i32
        %sub3A_392 = arith.constant 1 : i32
        %sub3A_393 = arith.subi %add3A_391, %sub3A_392 : i32
        %get3A_394 = arith.index_cast %sub3A_393 : i32 to index
        %get3A_395 = arith.constant 0 : index
        %get3A_396 = tpu.vector_load %arg6[%get3A_394, %get3A_395] {strides = array<i32>} : memref<250x80xi32, #tpu.memory_space<vmem>>, vector<1x16xi32>,
        %get3A_397 = vector.shape_cast %get3A_396 : vector<1x16xi32> to vector<16xi32>
        %mul3A_398 = arith.constant 2 : i32
        %mul3A_399 = vector.broadcast %mul3A_398 : i32 to vector<16xi32>
        %mul3A_400 = arith.muli %get3A_397, %mul3A_399 : vector<16xi32>
        %add3A_401 = vector.broadcast %arg0 : i32 to vector<16xi32>
        %add3A_402 = arith.addi %mul3A_400, %add3A_401 : vector<16xi32>
        %swap3A_403 = arith.index_cast %sub3A_393 : i32 to index
        %swap3A_404 = arith.constant 0 : index
        %swap3A_405 = tpu.vector_load %arg6[%swap3A_403, %swap3A_404] {strides = array<i32>} : memref<250x80xi32, #tpu.memory_space<vmem>>, vector<1x16xi32>,
        %swap3A_406 = vector.shape_cast %swap3A_405 : vector<1x16xi32> to vector<16xi32>
        %swap3A_407 = vector.shape_cast %add3A_402 : vector<16xi32> to vector<1x16xi32>
        tpu.vector_store %arg6[%swap3A_403, %swap3A_404], %swap3A_407 {strides = array<i32>} : memref<250x80xi32, #tpu.memory_space<vmem>>, vector<1x16xi32>,
        %get3A_408 = arith.index_cast %sub3A_393 : i32 to index
        %get3A_409 = arith.constant 16 : index
        %get3A_410 = tpu.vector_load %arg6[%get3A_408, %get3A_409] {strides = array<i32>} : memref<250x80xi32, #tpu.memory_space<vmem>>, vector<1x16xi32>,
        %get3A_411 = vector.shape_cast %get3A_410 : vector<1x16xi32> to vector<16xi32>
        %mul3A_412 = arith.constant 2 : i32
        %mul3A_413 = vector.broadcast %mul3A_412 : i32 to vector<16xi32>
        %mul3A_414 = arith.muli %get3A_411, %mul3A_413 : vector<16xi32>
        %add3A_415 = vector.broadcast %arg0 : i32 to vector<16xi32>
        %add3A_416 = arith.addi %mul3A_414, %add3A_415 : vector<16xi32>
        %swap3A_417 = arith.index_cast %sub3A_393 : i32 to index
        %swap3A_418 = arith.constant 16 : index
        %swap3A_419 = tpu.vector_load %arg6[%swap3A_417, %swap3A_418] {strides = array<i32>} : memref<250x80xi32, #tpu.memory_space<vmem>>, vector<1x16xi32>,
        %swap3A_420 = vector.shape_cast %swap3A_419 : vector<1x16xi32> to vector<16xi32>
        %swap3A_421 = vector.shape_cast %add3A_416 : vector<16xi32> to vector<1x16xi32>
        tpu.vector_store %arg6[%swap3A_417, %swap3A_418], %swap3A_421 {strides = array<i32>} : memref<250x80xi32, #tpu.memory_space<vmem>>, vector<1x16xi32>,
        %get3A_422 = arith.index_cast %sub3A_393 : i32 to index
        %get3A_423 = arith.constant 32 : index
        %get3A_424 = tpu.vector_load %arg6[%get3A_422, %get3A_423] {strides = array<i32>} : memref<250x80xi32, #tpu.memory_space<vmem>>, vector<1x16xi32>,
        %get3A_425 = vector.shape_cast %get3A_424 : vector<1x16xi32> to vector<16xi32>
        %mul3A_426 = arith.constant 2 : i32
        %mul3A_427 = vector.broadcast %mul3A_426 : i32 to vector<16xi32>
        %mul3A_428 = arith.muli %get3A_425, %mul3A_427 : vector<16xi32>
        %add3A_429 = vector.broadcast %arg0 : i32 to vector<16xi32>
        %add3A_430 = arith.addi %mul3A_428, %add3A_429 : vector<16xi32>
        %swap3A_431 = arith.index_cast %sub3A_393 : i32 to index
        %swap3A_432 = arith.constant 32 : index
        %swap3A_433 = tpu.vector_load %arg6[%swap3A_431, %swap3A_432] {strides = array<i32>} : memref<250x80xi32, #tpu.memory_space<vmem>>, vector<1x16xi32>,
        %swap3A_434 = vector.shape_cast %swap3A_433 : vector<1x16xi32> to vector<16xi32>
        %swap3A_435 = vector.shape_cast %add3A_430 : vector<16xi32> to vector<1x16xi32>
        tpu.vector_store %arg6[%swap3A_431, %swap3A_432], %swap3A_435 {strides = array<i32>} : memref<250x80xi32, #tpu.memory_space<vmem>>, vector<1x16xi32>,
        %get3A_436 = arith.index_cast %sub3A_393 : i32 to index
        %get3A_437 = arith.constant 48 : index
        %get3A_438 = tpu.vector_load %arg6[%get3A_436, %get3A_437] {strides = array<i32>} : memref<250x80xi32, #tpu.memory_space<vmem>>, vector<1x16xi32>,
        %get3A_439 = vector.shape_cast %get3A_438 : vector<1x16xi32> to vector<16xi32>
        %mul3A_440 = arith.constant 2 : i32
        %mul3A_441 = vector.broadcast %mul3A_440 : i32 to vector<16xi32>
        %mul3A_442 = arith.muli %get3A_439, %mul3A_441 : vector<16xi32>
        %add3A_443 = vector.broadcast %arg0 : i32 to vector<16xi32>
        %add3A_444 = arith.addi %mul3A_442, %add3A_443 : vector<16xi32>
        %swap3A_445 = arith.index_cast %sub3A_393 : i32 to index
        %swap3A_446 = arith.constant 48 : index
        %swap3A_447 = tpu.vector_load %arg6[%swap3A_445, %swap3A_446] {strides = array<i32>} : memref<250x80xi32, #tpu.memory_space<vmem>>, vector<1x16xi32>,
        %swap3A_448 = vector.shape_cast %swap3A_447 : vector<1x16xi32> to vector<16xi32>
        %swap3A_449 = vector.shape_cast %add3A_444 : vector<16xi32> to vector<1x16xi32>
        tpu.vector_store %arg6[%swap3A_445, %swap3A_446], %swap3A_449 {strides = array<i32>} : memref<250x80xi32, #tpu.memory_space<vmem>>, vector<1x16xi32>,
        %get3A_450 = arith.index_cast %sub3A_393 : i32 to index
        %get3A_451 = arith.constant 64 : index
        %get3A_452 = tpu.vector_load %arg6[%get3A_450, %get3A_451] {strides = array<i32>} : memref<250x80xi32, #tpu.memory_space<vmem>>, vector<1x16xi32>,
        %get3A_453 = vector.shape_cast %get3A_452 : vector<1x16xi32> to vector<16xi32>
        %mul3A_454 = arith.constant 2 : i32
        %mul3A_455 = vector.broadcast %mul3A_454 : i32 to vector<16xi32>
        %mul3A_456 = arith.muli %get3A_453, %mul3A_455 : vector<16xi32>
        %add3A_457 = vector.broadcast %arg0 : i32 to vector<16xi32>
        %add3A_458 = arith.addi %mul3A_456, %add3A_457 : vector<16xi32>
        %swap3A_459 = arith.index_cast %sub3A_393 : i32 to index
        %swap3A_460 = arith.constant 64 : index
        %swap3A_461 = tpu.vector_load %arg6[%swap3A_459, %swap3A_460] {strides = array<i32>} : memref<250x80xi32, #tpu.memory_space<vmem>>, vector<1x16xi32>,
        %swap3A_462 = vector.shape_cast %swap3A_461 : vector<1x16xi32> to vector<16xi32>
        %swap3A_463 = vector.shape_cast %add3A_458 : vector<16xi32> to vector<1x16xi32>
        tpu.vector_store %arg6[%swap3A_459, %swap3A_460], %swap3A_463 {strides = array<i32>} : memref<250x80xi32, #tpu.memory_space<vmem>>, vector<1x16xi32>,
        %add3A_464 = arith.constant 4 : i32
        %add3A_465 = arith.addi %scan3A_343, %add3A_464 : i32
        %sub3A_466 = arith.constant 1 : i32
        %sub3A_467 = arith.subi %add3A_465, %sub3A_466 : i32
        %add3A_468 = arith.constant 4 : i32
        %add3A_469 = arith.addi %scan3A_343, %add3A_468 : i32
        %sub3A_470 = arith.constant 1 : i32
        %sub3A_471 = arith.subi %add3A_469, %sub3A_470 : i32
        %jit3A_472 = arith.constant 4 : i32
        %eq3A_473 = arith.constant 0 : i32
        %eq3A_474 = arith.cmpi eq, %jit3A_472, %eq3A_473 : i32
        %jit3A_475 = arith.constant 1 : i32
        %select_n3A_476 = arith.select %eq3A_474, %jit3A_475, %jit3A_472 : i32
        %rem3A_477 = arith.remsi %sub3A_471, %select_n3A_476 : i32
        %ne3A_478 = arith.constant 0 : i32
        %ne3A_479 = arith.cmpi ne, %rem3A_477, %ne3A_478 : i32
        %lt3A_480 = arith.constant 0 : i32
        %lt3A_481 = arith.cmpi slt, %rem3A_477, %lt3A_480 : i32
        %lt3A_482 = arith.constant 0 : i32
        %lt3A_483 = arith.cmpi slt, %select_n3A_476, %lt3A_482 : i32
        %ne3A_484 = arith.xori %lt3A_481, %lt3A_483 : i1
        %and3A_485 = arith.andi %ne3A_484, %ne3A_479 : i1
        %add3A_486 = arith.addi %rem3A_477, %select_n3A_476 : i32
        %select_n3A_487 = arith.select %and3A_485, %add3A_486, %rem3A_477 : i32
        %dma_start3A_488 = arith.constant 0 : i32
        %dma_start3A_489 = arith.constant 0 : i32
        %dma_start3A_490 = tpu.memref_slice %arg8[%select_n3A_487, %dma_start3A_488, %dma_start3A_489] : memref<4x80x64xf32, #tpu.memory_space<vmem>> -> memref<1x80x64xf32, #tpu.memory_space<vmem>>
        %dma_start3A_491 = tpu.memref_squeeze %dma_start3A_490 : memref<1x80x64xf32, #tpu.memory_space<vmem>> -> memref<80x64xf32, #tpu.memory_space<vmem>>
        %dma_start3A_492 = arith.constant 0 : i32
        %dma_start3A_493 = tpu.memref_slice %arg6[%sub3A_467, %dma_start3A_492] : memref<250x80xi32, #tpu.memory_space<vmem>> -> memref<1x80xi32, #tpu.memory_space<vmem>>
        %dma_start3A_494 = tpu.memref_squeeze %dma_start3A_493 : memref<1x80xi32, #tpu.memory_space<vmem>> -> memref<80xi32, #tpu.memory_space<vmem>>
        %dma_start3A_495 = arith.constant 0 : i32
        %dma_start3A_496 = arith.constant 0 : i32
        %dma_start3A_497 = tpu.memref_slice %arg4[%dma_start3A_495, %dma_start3A_496] : memref<20000x64xf32, #tpu.memory_space<hbm>> -> memref<20000x64xf32, #tpu.memory_space<hbm>>
        tpu.enqueue_indirect_dma source(%dma_start3A_497 : memref<20000x64xf32, #tpu.memory_space<hbm>>) target(%dma_start3A_491 : memref<80x64xf32, #tpu.memory_space<vmem>>) offsets(%dma_start3A_494 : memref<80xi32, #tpu.memory_space<vmem>>) semaphore(%arg10 : memref<!tpu.dma_semaphore, #tpu.memory_space<semaphore_mem>>)
      } else {
      }
      %dma_wait3A_370 = arith.constant 0 : i32
      %dma_wait3A_371 = arith.constant 0 : i32
      %dma_wait3A_372 = tpu.memref_slice %arg8[%select_n3A_352, %dma_wait3A_370, %dma_wait3A_371] : memref<4x80x64xf32, #tpu.memory_space<vmem>> -> memref<1x80x64xf32, #tpu.memory_space<vmem>>
      %dma_wait3A_373 = tpu.memref_squeeze %dma_wait3A_372 : memref<1x80x64xf32, #tpu.memory_space<vmem>> -> memref<80x64xf32, #tpu.memory_space<vmem>>
      %dma_wait3A_374 = arith.constant 0 : i32
      %dma_wait3A_375 = tpu.memref_slice %arg6[%scan3A_343, %dma_wait3A_374] : memref<250x80xi32, #tpu.memory_space<vmem>> -> memref<1x80xi32, #tpu.memory_space<vmem>>
      %dma_wait3A_376 = tpu.memref_squeeze %dma_wait3A_375 : memref<1x80xi32, #tpu.memory_space<vmem>> -> memref<80xi32, #tpu.memory_space<vmem>>
      %dma_wait3A_377 = arith.constant 0 : i32
      %dma_wait3A_378 = arith.constant 0 : i32
      %dma_wait3A_379 = tpu.memref_slice %arg4[%dma_wait3A_377, %dma_wait3A_378] : memref<20000x64xf32, #tpu.memory_space<hbm>> -> memref<20000x64xf32, #tpu.memory_space<hbm>>
      tpu.wait_indirect_dma semaphore(%arg10 : memref<!tpu.dma_semaphore, #tpu.memory_space<semaphore_mem>>) src(%dma_wait3A_379 : memref<20000x64xf32, #tpu.memory_space<hbm>>) dst(%dma_wait3A_373 : memref<80x64xf32, #tpu.memory_space<vmem>>)
      %dma_start3A_380 = arith.constant 0 : i32
      %dma_start3A_381 = arith.constant 0 : i32
      %dma_start3A_382 = tpu.memref_slice %arg8[%select_n3A_352, %dma_start3A_380, %dma_start3A_381] : memref<4x80x64xf32, #tpu.memory_space<vmem>> -> memref<1x80x64xf32, #tpu.memory_space<vmem>>
      %dma_start3A_383 = tpu.memref_squeeze %dma_start3A_382 : memref<1x80x64xf32, #tpu.memory_space<vmem>> -> memref<80x64xf32, #tpu.memory_space<vmem>>
      %dma_start3A_384 = arith.constant 0 : i32
      %dma_start3A_385 = tpu.memref_slice %arg7[%scan3A_343, %dma_start3A_384] : memref<250x80xi32, #tpu.memory_space<vmem>> -> memref<1x80xi32, #tpu.memory_space<vmem>>
      %dma_start3A_386 = tpu.memref_squeeze %dma_start3A_385 : memref<1x80xi32, #tpu.memory_space<vmem>> -> memref<80xi32, #tpu.memory_space<vmem>>
      %dma_start3A_387 = arith.constant 0 : i32
      %dma_start3A_388 = arith.constant 0 : i32
      %dma_start3A_389 = tpu.memref_slice %arg9[%dma_start3A_387, %dma_start3A_388] : memref<10240x64xf32, #tpu.memory_space<vmem_shared>> -> memref<10240x64xf32, #tpu.memory_space<vmem_shared>>
      tpu.enqueue_indirect_dma source(%dma_start3A_383 : memref<80x64xf32, #tpu.memory_space<vmem>>) target(%dma_start3A_389 : memref<10240x64xf32, #tpu.memory_space<vmem_shared>>) offsets(%dma_start3A_386 : memref<80xi32, #tpu.memory_space<vmem>>) semaphore(%arg11 : memref<!tpu.dma_semaphore, #tpu.memory_space<semaphore_mem>>) {add = true}
    }
    %scan3A_288 = arith.constant 250 : i32
    %dma_wait3A = arith.constant 2 : i32
    %dma_wait3A_289 = arith.constant 246 : i32
    %dma_wait3A_290 = arith.constant 0 : i32
    %dma_wait3A_291 = arith.constant 0 : i32
    %dma_wait3A_292 = tpu.memref_slice %arg8[%dma_wait3A, %dma_wait3A_290, %dma_wait3A_291] : memref<4x80x64xf32, #tpu.memory_space<vmem>> -> memref<1x80x64xf32, #tpu.memory_space<vmem>>
    %dma_wait3A_293 = tpu.memref_squeeze %dma_wait3A_292 : memref<1x80x64xf32, #tpu.memory_space<vmem>> -> memref<80x64xf32, #tpu.memory_space<vmem>>
    %dma_wait3A_294 = arith.constant 0 : i32
    %dma_wait3A_295 = tpu.memref_slice %arg7[%dma_wait3A_289, %dma_wait3A_294] : memref<250x80xi32, #tpu.memory_space<vmem>> -> memref<1x80xi32, #tpu.memory_space<vmem>>
    %dma_wait3A_296 = tpu.memref_squeeze %dma_wait3A_295 : memref<1x80xi32, #tpu.memory_space<vmem>> -> memref<80xi32, #tpu.memory_space<vmem>>
    %dma_wait3A_297 = arith.constant 0 : i32
    %dma_wait3A_298 = arith.constant 0 : i32
    %dma_wait3A_299 = tpu.memref_slice %arg9[%dma_wait3A_297, %dma_wait3A_298] : memref<10240x64xf32, #tpu.memory_space<vmem_shared>> -> memref<10240x64xf32, #tpu.memory_space<vmem_shared>>
    tpu.wait_indirect_dma semaphore(%arg11 : memref<!tpu.dma_semaphore, #tpu.memory_space<semaphore_mem>>) src(%dma_wait3A_293 : memref<80x64xf32, #tpu.memory_space<vmem>>) dst(%dma_wait3A_299 : memref<10240x64xf32, #tpu.memory_space<vmem_shared>>)
    %dma_wait3A_300 = arith.constant 3 : i32
    %dma_wait3A_301 = arith.constant 247 : i32
    %dma_wait3A_302 = arith.constant 0 : i32
    %dma_wait3A_303 = arith.constant 0 : i32
    %dma_wait3A_304 = tpu.memref_slice %arg8[%dma_wait3A_300, %dma_wait3A_302, %dma_wait3A_303] : memref<4x80x64xf32, #tpu.memory_space<vmem>> -> memref<1x80x64xf32, #tpu.memory_space<vmem>>
    %dma_wait3A_305 = tpu.memref_squeeze %dma_wait3A_304 : memref<1x80x64xf32, #tpu.memory_space<vmem>> -> memref<80x64xf32, #tpu.memory_space<vmem>>
    %dma_wait3A_306 = arith.constant 0 : i32
    %dma_wait3A_307 = tpu.memref_slice %arg7[%dma_wait3A_301, %dma_wait3A_306] : memref<250x80xi32, #tpu.memory_space<vmem>> -> memref<1x80xi32, #tpu.memory_space<vmem>>
    %dma_wait3A_308 = tpu.memref_squeeze %dma_wait3A_307 : memref<1x80xi32, #tpu.memory_space<vmem>> -> memref<80xi32, #tpu.memory_space<vmem>>
    %dma_wait3A_309 = arith.constant 0 : i32
    %dma_wait3A_310 = arith.constant 0 : i32
    %dma_wait3A_311 = tpu.memref_slice %arg9[%dma_wait3A_309, %dma_wait3A_310] : memref<10240x64xf32, #tpu.memory_space<vmem_shared>> -> memref<10240x64xf32, #tpu.memory_space<vmem_shared>>
    tpu.wait_indirect_dma semaphore(%arg11 : memref<!tpu.dma_semaphore, #tpu.memory_space<semaphore_mem>>) src(%dma_wait3A_305 : memref<80x64xf32, #tpu.memory_space<vmem>>) dst(%dma_wait3A_311 : memref<10240x64xf32, #tpu.memory_space<vmem_shared>>)
    %dma_wait3A_312 = arith.constant 0 : i32
    %dma_wait3A_313 = arith.constant 248 : i32
    %dma_wait3A_314 = arith.constant 0 : i32
    %dma_wait3A_315 = arith.constant 0 : i32
    %dma_wait3A_316 = tpu.memref_slice %arg8[%dma_wait3A_312, %dma_wait3A_314, %dma_wait3A_315] : memref<4x80x64xf32, #tpu.memory_space<vmem>> -> memref<1x80x64xf32, #tpu.memory_space<vmem>>
    %dma_wait3A_317 = tpu.memref_squeeze %dma_wait3A_316 : memref<1x80x64xf32, #tpu.memory_space<vmem>> -> memref<80x64xf32, #tpu.memory_space<vmem>>
    %dma_wait3A_318 = arith.constant 0 : i32
    %dma_wait3A_319 = tpu.memref_slice %arg7[%dma_wait3A_313, %dma_wait3A_318] : memref<250x80xi32, #tpu.memory_space<vmem>> -> memref<1x80xi32, #tpu.memory_space<vmem>>
    %dma_wait3A_320 = tpu.memref_squeeze %dma_wait3A_319 : memref<1x80xi32, #tpu.memory_space<vmem>> -> memref<80xi32, #tpu.memory_space<vmem>>
    %dma_wait3A_321 = arith.constant 0 : i32
    %dma_wait3A_322 = arith.constant 0 : i32
    %dma_wait3A_323 = tpu.memref_slice %arg9[%dma_wait3A_321, %dma_wait3A_322] : memref<10240x64xf32, #tpu.memory_space<vmem_shared>> -> memref<10240x64xf32, #tpu.memory_space<vmem_shared>>
    tpu.wait_indirect_dma semaphore(%arg11 : memref<!tpu.dma_semaphore, #tpu.memory_space<semaphore_mem>>) src(%dma_wait3A_317 : memref<80x64xf32, #tpu.memory_space<vmem>>) dst(%dma_wait3A_323 : memref<10240x64xf32, #tpu.memory_space<vmem_shared>>)
    %dma_wait3A_324 = arith.constant 1 : i32
    %dma_wait3A_325 = arith.constant 249 : i32
    %dma_wait3A_326 = arith.constant 0 : i32
    %dma_wait3A_327 = arith.constant 0 : i32
    %dma_wait3A_328 = tpu.memref_slice %arg8[%dma_wait3A_324, %dma_wait3A_326, %dma_wait3A_327] : memref<4x80x64xf32, #tpu.memory_space<vmem>> -> memref<1x80x64xf32, #tpu.memory_space<vmem>>
    %dma_wait3A_329 = tpu.memref_squeeze %dma_wait3A_328 : memref<1x80x64xf32, #tpu.memory_space<vmem>> -> memref<80x64xf32, #tpu.memory_space<vmem>>
    %dma_wait3A_330 = arith.constant 0 : i32
    %dma_wait3A_331 = tpu.memref_slice %arg7[%dma_wait3A_325, %dma_wait3A_330] : memref<250x80xi32, #tpu.memory_space<vmem>> -> memref<1x80xi32, #tpu.memory_space<vmem>>
    %dma_wait3A_332 = tpu.memref_squeeze %dma_wait3A_331 : memref<1x80xi32, #tpu.memory_space<vmem>> -> memref<80xi32, #tpu.memory_space<vmem>>
    %dma_wait3A_333 = arith.constant 0 : i32
    %dma_wait3A_334 = arith.constant 0 : i32
    %dma_wait3A_335 = tpu.memref_slice %arg9[%dma_wait3A_333, %dma_wait3A_334] : memref<10240x64xf32, #tpu.memory_space<vmem_shared>> -> memref<10240x64xf32, #tpu.memory_space<vmem_shared>>
    tpu.wait_indirect_dma semaphore(%arg11 : memref<!tpu.dma_semaphore, #tpu.memory_space<semaphore_mem>>) src(%dma_wait3A_329 : memref<80x64xf32, #tpu.memory_space<vmem>>) dst(%dma_wait3A_335 : memref<10240x64xf32, #tpu.memory_space<vmem_shared>>)
    %barrier3A_336 = arith.constant 0 : index
    tpu.barrier barrier_id(%barrier3A_336)
    %scan3A_337 = arith.constant 0 : i32
    %scan3A_338 = arith.constant 0 : i32
    %scan3A_339 = arith.constant 8 : i32
    %scan3A_340 = arith.addi %scan3A_338, %scan3A_339 : i32
    %scan3A_341 = arith.constant 1 : i32
    scf.for %scan3A_343 = %scan3A_338 to %scan3A_340 step %scan3A_341  : i32 {
      %mul3A_344 = arith.constant 640 : i32
      %mul3A_345 = arith.muli %arg1, %mul3A_344 : i32
      %mul3A_346 = arith.constant 80 : i32
      %mul3A_347 = arith.muli %scan3A_343, %mul3A_346 : i32
      %add3A_348 = arith.addi %mul3A_345, %mul3A_347 : i32
      %add3A_349 = arith.constant 80 : i32
      %add3A_350 = arith.addi %add3A_348, %add3A_349 : i32
      %le3A = arith.constant 10000 : i32
      %le3A_351 = arith.cmpi sle, %add3A_350, %le3A : i32
      %convert_element_type3A = arith.extui %le3A_351 : i1 to i32
      %cond3A = arith.constant 0 : i32
      %cond3A_352 = arith.cmpi ne, %convert_element_type3A, %cond3A : i32
      scf.if %cond3A_352 {
        %run_scoped3A = arith.constant 0 : i32
        "tpu.region"() ({
          %run_scoped3A_354 = tpu.sem_alloc : memref<!tpu.dma_semaphore, #tpu.memory_space<semaphore_mem>>
          %dma_start3A_355 = arith.constant 0 : i32
          %dma_start3A_356 = arith.constant 0 : i32
          %dma_start3A_357 = tpu.memref_slice %arg8[%run_scoped3A, %dma_start3A_355, %dma_start3A_356] : memref<4x80x64xf32, #tpu.memory_space<vmem>> -> memref<1x80x64xf32, #tpu.memory_space<vmem>>
          %dma_start3A_358 = tpu.memref_squeeze %dma_start3A_357 : memref<1x80x64xf32, #tpu.memory_space<vmem>> -> memref<80x64xf32, #tpu.memory_space<vmem>>
          %dma_start3A_359 = arith.constant 0 : i32
          %dma_start3A_360 = tpu.memref_slice %arg9[%add3A_348, %dma_start3A_359] : memref<10240x64xf32, #tpu.memory_space<vmem_shared>> -> memref<80x64xf32, #tpu.memory_space<vmem_shared>>
          %dma_start3A_361 = arith.constant 0 : i32
          %dma_start3A_362 = arith.constant 0 : i32
          %dma_start3A_363 = tpu.memref_slice %arg8[%run_scoped3A, %dma_start3A_361, %dma_start3A_362] : memref<4x80x64xf32, #tpu.memory_space<vmem>> -> memref<1x80x64xf32, #tpu.memory_space<vmem>>
          %dma_start3A_364 = tpu.memref_squeeze %dma_start3A_363 : memref<1x80x64xf32, #tpu.memory_space<vmem>> -> memref<80x64xf32, #tpu.memory_space<vmem>>
          %dma_start3A_365 = arith.constant 0 : i32
          %dma_start3A_366 = tpu.memref_slice %arg9[%add3A_348, %dma_start3A_365] : memref<10240x64xf32, #tpu.memory_space<vmem_shared>> -> memref<80x64xf32, #tpu.memory_space<vmem_shared>>
          tpu.enqueue_dma source(%dma_start3A_366 : memref<80x64xf32, #tpu.memory_space<vmem_shared>>) target(%dma_start3A_364 : memref<80x64xf32, #tpu.memory_space<vmem>>) target_semaphore(%run_scoped3A_354 : memref<!tpu.dma_semaphore, #tpu.memory_space<semaphore_mem>>)
          %dma_wait3A_367 = arith.constant 0 : i32
          %dma_wait3A_368 = arith.constant 0 : i32
          %dma_wait3A_369 = tpu.memref_slice %arg8[%run_scoped3A, %dma_wait3A_367, %dma_wait3A_368] : memref<4x80x64xf32, #tpu.memory_space<vmem>> -> memref<1x80x64xf32, #tpu.memory_space<vmem>>
          %dma_wait3A_370 = tpu.memref_squeeze %dma_wait3A_369 : memref<1x80x64xf32, #tpu.memory_space<vmem>> -> memref<80x64xf32, #tpu.memory_space<vmem>>
          %dma_wait3A_371 = arith.constant 0 : i32
          %dma_wait3A_372 = tpu.memref_slice %arg9[%add3A_348, %dma_wait3A_371] : memref<10240x64xf32, #tpu.memory_space<vmem_shared>> -> memref<80x64xf32, #tpu.memory_space<vmem_shared>>
          %dma_wait3A_373 = arith.constant 0 : i32
          %dma_wait3A_374 = arith.constant 0 : i32
          %dma_wait3A_375 = tpu.memref_slice %arg8[%run_scoped3A, %dma_wait3A_373, %dma_wait3A_374] : memref<4x80x64xf32, #tpu.memory_space<vmem>> -> memref<1x80x64xf32, #tpu.memory_space<vmem>>
          %dma_wait3A_376 = tpu.memref_squeeze %dma_wait3A_375 : memref<1x80x64xf32, #tpu.memory_space<vmem>> -> memref<80x64xf32, #tpu.memory_space<vmem>>
          %dma_wait3A_377 = arith.constant 0 : i32
          %dma_wait3A_378 = tpu.memref_slice %arg9[%add3A_348, %dma_wait3A_377] : memref<10240x64xf32, #tpu.memory_space<vmem_shared>> -> memref<80x64xf32, #tpu.memory_space<vmem_shared>>
          tpu.wait_dma2 semaphore(%run_scoped3A_354 : memref<!tpu.dma_semaphore, #tpu.memory_space<semaphore_mem>>) src(%dma_wait3A_378 : memref<80x64xf32, #tpu.memory_space<vmem_shared>>) dst(%dma_wait3A_376 : memref<80x64xf32, #tpu.memory_space<vmem>>)
          tpu.yield
        }) : () -> ()
        %run_scoped3A_353 = arith.constant 0 : i32
        "tpu.region"() ({
          %run_scoped3A_354 = tpu.sem_alloc : memref<!tpu.dma_semaphore, #tpu.memory_space<semaphore_mem>>
          %dma_start3A_355 = arith.constant 0 : i32
          %dma_start3A_356 = arith.constant 0 : i32
          %dma_start3A_357 = tpu.memref_slice %arg8[%run_scoped3A_353, %dma_start3A_355, %dma_start3A_356] : memref<4x80x64xf32, #tpu.memory_space<vmem>> -> memref<1x80x64xf32, #tpu.memory_space<vmem>>
          %dma_start3A_358 = tpu.memref_squeeze %dma_start3A_357 : memref<1x80x64xf32, #tpu.memory_space<vmem>> -> memref<80x64xf32, #tpu.memory_space<vmem>>
          %dma_start3A_359 = arith.constant 0 : i32
          %dma_start3A_360 = tpu.memref_slice %arg5[%arg0, %add3A_348, %dma_start3A_359] : memref<2x10000x64xf32, #tpu.memory_space<hbm>> -> memref<1x80x64xf32, #tpu.memory_space<hbm>>
          %dma_start3A_361 = tpu.memref_squeeze %dma_start3A_360 : memref<1x80x64xf32, #tpu.memory_space<hbm>> -> memref<80x64xf32, #tpu.memory_space<hbm>>
          %dma_start3A_362 = arith.constant 0 : i32
          %dma_start3A_363 = tpu.memref_slice %arg5[%arg0, %add3A_348, %dma_start3A_362] : memref<2x10000x64xf32, #tpu.memory_space<hbm>> -> memref<1x80x64xf32, #tpu.memory_space<hbm>>
          %dma_start3A_364 = tpu.memref_squeeze %dma_start3A_363 : memref<1x80x64xf32, #tpu.memory_space<hbm>> -> memref<80x64xf32, #tpu.memory_space<hbm>>
          %dma_start3A_365 = arith.constant 0 : i32
          %dma_start3A_366 = arith.constant 0 : i32
          %dma_start3A_367 = tpu.memref_slice %arg8[%run_scoped3A_353, %dma_start3A_365, %dma_start3A_366] : memref<4x80x64xf32, #tpu.memory_space<vmem>> -> memref<1x80x64xf32, #tpu.memory_space<vmem>>
          %dma_start3A_368 = tpu.memref_squeeze %dma_start3A_367 : memref<1x80x64xf32, #tpu.memory_space<vmem>> -> memref<80x64xf32, #tpu.memory_space<vmem>>
          tpu.enqueue_dma source(%dma_start3A_368 : memref<80x64xf32, #tpu.memory_space<vmem>>) target(%dma_start3A_364 : memref<80x64xf32, #tpu.memory_space<hbm>>) target_semaphore(%run_scoped3A_354 : memref<!tpu.dma_semaphore, #tpu.memory_space<semaphore_mem>>)
          %dma_wait3A_369 = arith.constant 0 : i32
          %dma_wait3A_370 = arith.constant 0 : i32
          %dma_wait3A_371 = tpu.memref_slice %arg8[%run_scoped3A_353, %dma_wait3A_369, %dma_wait3A_370] : memref<4x80x64xf32, #tpu.memory_space<vmem>> -> memref<1x80x64xf32, #tpu.memory_space<vmem>>
          %dma_wait3A_372 = tpu.memref_squeeze %dma_wait3A_371 : memref<1x80x64xf32, #tpu.memory_space<vmem>> -> memref<80x64xf32, #tpu.memory_space<vmem>>
          %dma_wait3A_373 = arith.constant 0 : i32
          %dma_wait3A_374 = tpu.memref_slice %arg5[%arg0, %add3A_348, %dma_wait3A_373] : memref<2x10000x64xf32, #tpu.memory_space<hbm>> -> memref<1x80x64xf32, #tpu.memory_space<hbm>>
          %dma_wait3A_375 = tpu.memref_squeeze %dma_wait3A_374 : memref<1x80x64xf32, #tpu.memory_space<hbm>> -> memref<80x64xf32, #tpu.memory_space<hbm>>
          %dma_wait3A_376 = arith.constant 0 : i32
          %dma_wait3A_377 = tpu.memref_slice %arg5[%arg0, %add3A_348, %dma_wait3A_376] : memref<2x10000x64xf32, #tpu.memory_space<hbm>> -> memref<1x80x64xf32, #tpu.memory_space<hbm>>
          %dma_wait3A_378 = tpu.memref_squeeze %dma_wait3A_377 : memref<1x80x64xf32, #tpu.memory_space<hbm>> -> memref<80x64xf32, #tpu.memory_space<hbm>>
          %dma_wait3A_379 = arith.constant 0 : i32
          %dma_wait3A_380 = arith.constant 0 : i32
          %dma_wait3A_381 = tpu.memref_slice %arg8[%run_scoped3A_353, %dma_wait3A_379, %dma_wait3A_380] : memref<4x80x64xf32, #tpu.memory_space<vmem>> -> memref<1x80x64xf32, #tpu.memory_space<vmem>>
          %dma_wait3A_382 = tpu.memref_squeeze %dma_wait3A_381 : memref<1x80x64xf32, #tpu.memory_space<vmem>> -> memref<80x64xf32, #tpu.memory_space<vmem>>
          tpu.wait_dma2 semaphore(%run_scoped3A_354 : memref<!tpu.dma_semaphore, #tpu.memory_space<semaphore_mem>>) src(%dma_wait3A_382 : memref<80x64xf32, #tpu.memory_space<vmem>>) dst(%dma_wait3A_378 : memref<80x64xf32, #tpu.memory_space<hbm>>)
          tpu.yield
        }) : () -> ()
      } else {
      }
    }
    %scan3A_342 = arith.constant 8 : i32
    return
  }
}

module attributes {stable_mosaic.version = 14 : i64} {
  func.func @_mlp_body(%arg0: i32, %arg1: memref<2x2000x64xf32, #tpu.memory_space<vmem>>, %arg2: memref<128x64xf32, #tpu.memory_space<vmem>>, %arg3: memref<128x64xf32, #tpu.memory_space<vmem>>, %arg4: memref<1x128xf32, #tpu.memory_space<vmem>>, %arg5: memref<128x8xf32, #tpu.memory_space<vmem>>, %arg6: memref<1x1xf32, #tpu.memory_space<vmem>>, %arg7: memref<2000x8xf32, #tpu.memory_space<vmem>>) attributes {dimension_semantics = [#tpu.dimension_semantics<arbitrary>], iteration_bounds = array<i64: 5>, scalar_prefetch = 0 : i64, scratch_operands = 0 : i64, tpu.core_type = #tpu.core_type<tc>, window_params = [{transform_indices = @transform_0, window_bounds = array<i64: 2, 2000, 64>}, {pipeline_mode = #tpu.pipeline_mode<synchronous>, transform_indices = @transform_1, window_bounds = array<i64: 128, 64>}, {pipeline_mode = #tpu.pipeline_mode<synchronous>, transform_indices = @transform_2, window_bounds = array<i64: 128, 64>}, {pipeline_mode = #tpu.pipeline_mode<synchronous>, transform_indices = @transform_3, window_bounds = array<i64: 1, 128>}, {pipeline_mode = #tpu.pipeline_mode<synchronous>, transform_indices = @transform_4, window_bounds = array<i64: 128, 8>}, {pipeline_mode = #tpu.pipeline_mode<synchronous>, transform_indices = @transform_5, window_bounds = array<i64: 1, 1>}, {transform_indices = @transform_6, window_bounds = array<i64: 2000, 8>}]} {
    %get3A = arith.constant 0 : index
    %get3A_0 = arith.constant 0 : index
    %get3A_1 = arith.constant 0 : index
    %get3A_2 = vector.load %arg1[%get3A, %get3A_0, %get3A_1] : memref<2x2000x64xf32, #tpu.memory_space<vmem>>, vector<1x2000x64xf32>
    %get3A_3 = vector.shape_cast %get3A_2 : vector<1x2000x64xf32> to vector<2000x64xf32>
    %get3A_4 = arith.constant 0 : index
    %get3A_5 = arith.constant 0 : index
    %get3A_6 = vector.load %arg2[%get3A_4, %get3A_5] : memref<128x64xf32, #tpu.memory_space<vmem>>, vector<128x64xf32>
    %dot_general3A = arith.constant dense<0.000000e+00> : vector<2000x128xf32>
    %dot_general3A_7 = tpu.matmul %get3A_3, %get3A_6, %dot_general3A {dimension_numbers = #tpu.dot_dimension_numbers<[1], [1], [0], [0], [0, 0, 1, 0], [], []>, transpose_lhs_hint = false} : vector<2000x64xf32>, vector<128x64xf32>, vector<2000x128xf32> -> vector<2000x128xf32>
    %get3A_8 = arith.constant 1 : index
    %get3A_9 = arith.constant 0 : index
    %get3A_10 = arith.constant 0 : index
    %get3A_11 = vector.load %arg1[%get3A_8, %get3A_9, %get3A_10] : memref<2x2000x64xf32, #tpu.memory_space<vmem>>, vector<1x2000x64xf32>
    %get3A_12 = vector.shape_cast %get3A_11 : vector<1x2000x64xf32> to vector<2000x64xf32>
    %get3A_13 = arith.constant 0 : index
    %get3A_14 = arith.constant 0 : index
    %get3A_15 = vector.load %arg3[%get3A_13, %get3A_14] : memref<128x64xf32, #tpu.memory_space<vmem>>, vector<128x64xf32>
    %dot_general3A_16 = arith.constant dense<0.000000e+00> : vector<2000x128xf32>
    %dot_general3A_17 = tpu.matmul %get3A_12, %get3A_15, %dot_general3A_16 {dimension_numbers = #tpu.dot_dimension_numbers<[1], [1], [0], [0], [0, 0, 1, 0], [], []>, transpose_lhs_hint = false} : vector<2000x64xf32>, vector<128x64xf32>, vector<2000x128xf32> -> vector<2000x128xf32>
    %add3A = arith.addf %dot_general3A_7, %dot_general3A_17 : vector<2000x128xf32>
    %get3A_18 = arith.constant 0 : index
    %get3A_19 = arith.constant 0 : index
    %get3A_20 = vector.load %arg4[%get3A_18, %get3A_19] : memref<1x128xf32, #tpu.memory_space<vmem>>, vector<1x128xf32>
    %add3A_21 = vector.broadcast %get3A_20 : vector<1x128xf32> to vector<2000x128xf32>
    %add3A_22 = arith.addf %add3A, %add3A_21 : vector<2000x128xf32>
    %max3A = arith.constant 0.000000e+00 : f32
    %max3A_23 = vector.broadcast %max3A : f32 to vector<2000x128xf32>
    %max3A_24 = arith.maximumf %add3A_22, %max3A_23 : vector<2000x128xf32>
    %get3A_25 = arith.constant 0 : index
    %get3A_26 = arith.constant 0 : index
    %get3A_27 = vector.load %arg5[%get3A_25, %get3A_26] : memref<128x8xf32, #tpu.memory_space<vmem>>, vector<128x8xf32>
    %dot_general3A_28 = arith.constant dense<0.000000e+00> : vector<2000x8xf32>
    %dot_general3A_29 = tpu.matmul %max3A_24, %get3A_27, %dot_general3A_28 {dimension_numbers = #tpu.dot_dimension_numbers<[1], [0], [0], [1], [0, 0, 1, 1], [], []>, transpose_lhs_hint = false} : vector<2000x128xf32>, vector<128x8xf32>, vector<2000x8xf32> -> vector<2000x8xf32>
    %get3A_30 = arith.constant 0 : index
    %get3A_31 = arith.constant 0 : index
    %get3A_32 = vector.load %arg6[%get3A_30, %get3A_31] : memref<1x1xf32, #tpu.memory_space<vmem>>, vector<1x1xf32>
    %get3A_33 = vector.extract %get3A_32[0, 0] : f32 from vector<1x1xf32>
    %add3A_34 = vector.broadcast %get3A_33 : f32 to vector<2000x8xf32>
    %add3A_35 = arith.addf %dot_general3A_29, %add3A_34 : vector<2000x8xf32>
    %swap3A = arith.constant 0 : index
    %swap3A_36 = arith.constant 0 : index
    %swap3A_37 = vector.load %arg7[%swap3A, %swap3A_36] : memref<2000x8xf32, #tpu.memory_space<vmem>>, vector<2000x8xf32>
    tpu.vector_store %arg7[%swap3A, %swap3A_36], %add3A_35 {strides = array<i32>} : memref<2000x8xf32, #tpu.memory_space<vmem>>, vector<2000x8xf32>,
    return
  }
  func.func @transform_0(%arg0: i32) -> (i32, i32, i32) {
    %c0_i32 = arith.constant 0 : i32
    %c0_i32_0 = arith.constant 0 : i32
    %c0_i32_1 = arith.constant 0 : i32
    return %c0_i32, %arg0, %c0_i32_0 : i32, i32, i32
  }
  func.func @transform_1(%arg0: i32) -> (i32, i32) {
    %c0_i32 = arith.constant 0 : i32
    %c0_i32_0 = arith.constant 0 : i32
    %c0_i32_1 = arith.constant 0 : i32
    return %c0_i32, %c0_i32_0 : i32, i32
  }
  func.func @transform_2(%arg0: i32) -> (i32, i32) {
    %c0_i32 = arith.constant 0 : i32
    %c0_i32_0 = arith.constant 0 : i32
    %c0_i32_1 = arith.constant 0 : i32
    return %c0_i32, %c0_i32_0 : i32, i32
  }
  func.func @transform_3(%arg0: i32) -> (i32, i32) {
    %c0_i32 = arith.constant 0 : i32
    %c0_i32_0 = arith.constant 0 : i32
    %c0_i32_1 = arith.constant 0 : i32
    return %c0_i32, %c0_i32_0 : i32, i32
  }
  func.func @transform_4(%arg0: i32) -> (i32, i32) {
    %c0_i32 = arith.constant 0 : i32
    %c0_i32_0 = arith.constant 0 : i32
    %c0_i32_1 = arith.constant 0 : i32
    return %c0_i32, %c0_i32_0 : i32, i32
  }
  func.func @transform_5(%arg0: i32) -> (i32, i32) {
    %c0_i32 = arith.constant 0 : i32
    %c0_i32_0 = arith.constant 0 : i32
    %c0_i32_1 = arith.constant 0 : i32
    return %c0_i32, %c0_i32_0 : i32, i32
  }
  func.func @transform_6(%arg0: i32) -> (i32, i32) {
    %c0_i32 = arith.constant 0 : i32
    %c0_i32_0 = arith.constant 0 : i32
    return %arg0, %c0_i32 : i32, i32
  }
}

</mosaic_0001>

<sc_bundles>
// kernel: kernel.4.cloned.1.call-start
scs
__scs_entry_jumppad:
0x0: {  	(pc) =	sbr.rel $0x88, $3  }
0x1: {  	(tag) =	ssettag $0x0;
	lr =	simm.s32 $0x1  }
0x2: {  	[smem:$0x3F9B] =	sst lr;
	_ =	strace $0xD0000000  }
0x3: {  	_ = 	snop  }
0x4: {  	_ = 	snop  }
0x5: {  	_ = 	snop  }
0x6: {  	_ = 	snop  }
0x7: {  	_ = 	snop  }
__scs_overlays_trampoline_lowered:
0x8: {  	[smem:$0x3FAA] =	sst s0  }
0x9: {  	[smem:$0x3FAB] =	sst s1  }
0xa: {  	[smem:$0x3FAC] =	sst s2  }
0xb: {  	[smem:$0x3FAD] =	sst s3  }
0xc: {  	[smem:$0x3FAE] =	sst s4  }
0xd: {  	[smem:$0x3FAF] =	sst s5  }
0xe: {  	[smem:$0x3FB0] =	sst s6  }
0xf: {  	[smem:$0x3FB1] =	sst s7  }
0x10: {  	[smem:$0x3FB2] =	sst s8  }
0x11: {  	[smem:$0x3FB3] =	sst s9;
	s0 =	simm.s32 @!p0 $0x0  }
0x12: {  	s1 =	sld [smem:$0x3F99];
	s0 =	simm.s32 @p0 $0x1  }
0x13: {  	[smem:$0x3FB4] =	sst s0;
	s0 =	simm.s32 @!p1 $0x0  }
0x14: {  	s2 =	sld [smem:$0x3F98];
	s0 =	simm.s32 @p1 $0x1  }
0x15: {  	[smem:$0x3FB5] =	sst s0;
	s0 =	simm.s32 @!p2 $0x0  }
0x16: {  	s3 =	sld [smem:$0x3FDB];
	s0 =	simm.s32 @p2 $0x1  }
0x17: {  	s4 =	simm.s32 $0x1BF5;
	[smem:$0x3FB7] =	sst s0  }
0x18: {  	s0 =	sld [smem:$0x3F9A];
	_ =	swait.ge [sflag:s4], $0x0  }
0x19: {  	s7 =	sld [smem:$0x3F9B]  }
0x1a: {  	s8 =	sadd.s32 $0xFFFFE003, lr  }
0x1b: {  	s9 =	sadd.s32 $0xFFFFFEF7, lr;
	s5 =	simm.s32 $0xFFFFFFFF;
	p2 =	slt.u32 s8, $0xFFFFF086  }
0x1c: {  	p1 =	slt.u32 s9, $0xF7A;
	s5 =	simm.s32 @!p2 $0x0  }
0x1d: {  	s5 =	simm.s32 @p1 $0x1;
	p0 =	seq.s32 s7, s2  }
0x1e: {  	s7 =	smul.u32 @!p0 $0xF7A, s2;
	p2 =	seq.s32 @!p0 s5, $0x0  }
0x1f: {  	s9 =	smul.u32 $0xF7A, s1;
	s8 =	simm.s32 @!p0 $0x1BF5;
	p2 =	por !p2, p0  }
0x20: {  	[sflag:s8] =	ssyncset.s32 @!p0 $0xFFFFF086;
	s6 =	sadd.s32 @!p0 s3, s7;
	s7 =	simm.s32 @!p0 $0x108  }
0x21: {  	s3 =	sadd.s32 s3, s9;
	s6 =	sadd.s32 @!p0 $0x88, s6;
	s7 =	simm.s32 @p2 $0x1082  }
0x22: {  	[simem:s7], [sflag:s8] =	dma.local @!p0 [hbm:s6], $0xF7A  }
0x23: {  	s9 =	sor.u32 $0xD0000000, s2;
	s6 =	simm.s32 $0x108;
	_ =	swait.ge @!p0 [sflag:s8], $0x0  }
0x24: {  	s3 =	sadd.s32 $0x88, s3;
	s6 =	simm.s32 @!p1 $0x1082;
	[sflag:s4] =	ssyncset.s32 $0xFFFFF086  }
0x25: {  	[simem:s6], [sflag:s4] =	dma.local [hbm:s3], $0xF7A  }
0x26: {  	[smem:$0x3F9B] =	sst s1;
	(tag) =	ssettag s2;
	_ =	strace s9  }
0x27: {  	s1 =	sld [smem:$0x3FAB]  }
0x28: {  	s2 =	sld [smem:$0x3FAC]  }
0x29: {  	s4 =	sld [smem:$0x3FAE]  }
0x2a: {  	p0 =	seq.s32 s5, $0x0;
	s5 =	sld [smem:$0x3FAF]  }
0x2b: {  	s6 =	sld [smem:$0x3FB0]  }
0x2c: {  	s7 =	sld [smem:$0x3FB1]  }
0x2d: {  	s3 =	simm.s32 $0x108;
	s8 =	sld [smem:$0x3FB2]  }
0x2e: {  	s3 =	simm.s32 @!p0 $0x1082;
	s9 =	sld [smem:$0x3FB3]  }
0x2f: {  	lr =	sadd.s32 s0, s3;
	s0 =	sld [smem:$0x3FAA]  }
0x30: {  	s3 =	sld [smem:$0x3FAD]  }
0x31: {  	[smem:$0x3FB6] =	sst s10  }
0x32: {  	s10 =	sld [smem:$0x3FB4];
	_ =	sdelay $0x3  }
0x33: {  	p0 =	seq.s32 s10, $0x1;
	s10 =	sld [smem:$0x3FB6];
	_ =	sdelay $0x3  }
0x34: {  	[smem:$0x3FB6] =	sst s10  }
0x35: {  	s10 =	sld [smem:$0x3FB5];
	_ =	sdelay $0x3  }
0x36: {  	p1 =	seq.s32 s10, $0x1;
	s10 =	sld [smem:$0x3FB6];
	_ =	sdelay $0x3  }
0x37: {  	[smem:$0x3FB6] =	sst s10  }
0x38: {  	s10 =	sld [smem:$0x3FB7]  }
0x39: {  	_ = 	snop;
	(pc) =	sbr.ind lr, $3  }
0x3a: {  	_ = 	snop  }
0x3b: {  	_ = 	snop  }
0x3c: {  	p2 =	seq.s32 s10, $0x1;
	s10 =	sld [smem:$0x3FB6]  }
0x3d: {  	_ =	shalt  }
0x3e: {  	_ =	shalt  }
0x3f: {  	_ =	shalt  }
0x40: {  	_ =	shalt  }
0x41: {  	_ =	shalt  }
0x42: {  	_ =	shalt  }
0x43: {  	_ =	shalt  }
0x44: {  	_ =	shalt  }
0x45: {  	_ =	shalt  }
0x46: {  	_ =	shalt  }
0x47: {  	_ =	shalt  }
0x48: {  	_ =	shalt  }
0x49: {  	_ =	shalt  }
0x4a: {  	_ =	shalt  }
0x4b: {  	_ =	shalt  }
0x4c: {  	_ =	shalt  }
0x4d: {  	_ =	shalt  }
0x4e: {  	_ =	shalt  }
0x4f: {  	_ =	shalt  }
0x50: {  	_ =	shalt  }
0x51: {  	_ =	shalt  }
0x52: {  	_ =	shalt  }
0x53: {  	_ =	shalt  }
0x54: {  	_ =	shalt  }
0x55: {  	_ =	shalt  }
0x56: {  	_ =	shalt  }
0x57: {  	_ =	shalt  }
0x58: {  	_ =	shalt  }
0x59: {  	_ =	shalt  }
0x5a: {  	_ =	shalt  }
0x5b: {  	_ =	shalt  }
0x5c: {  	_ =	shalt  }
0x5d: {  	_ =	shalt  }
0x5e: {  	_ =	shalt  }
0x5f: {  	_ =	shalt  }
0x60: {  	_ =	shalt  }
0x61: {  	_ =	shalt  }
0x62: {  	_ =	shalt  }
0x63: {  	_ =	shalt  }
0x64: {  	_ =	shalt  }
0x65: {  	_ =	shalt  }
0x66: {  	_ =	shalt  }
0x67: {  	_ =	shalt  }
0x68: {  	_ =	shalt  }
0x69: {  	_ =	shalt  }
0x6a: {  	_ =	shalt  }
0x6b: {  	_ =	shalt  }
0x6c: {  	_ =	shalt  }
0x6d: {  	_ =	shalt  }
0x6e: {  	_ =	shalt  }
0x6f: {  	_ =	shalt  }
0x70: {  	_ =	shalt  }
0x71: {  	_ =	shalt  }
0x72: {  	_ =	shalt  }
0x73: {  	_ =	shalt  }
0x74: {  	_ =	shalt  }
0x75: {  	_ =	shalt  }
0x76: {  	_ =	shalt  }
0x77: {  	_ =	shalt  }
0x78: {  	_ =	shalt  }
0x79: {  	_ =	shalt  }
0x7a: {  	_ =	shalt  }
0x7b: {  	_ =	shalt  }
0x7c: {  	_ =	shalt  }
0x7d: {  	_ =	shalt  }
0x7e: {  	_ =	shalt  }
0x7f: {  	_ =	shalt  }
0x80: {  	_ =	shalt  }
0x81: {  	_ =	shalt  }
0x82: {  	_ =	shalt  }
0x83: {  	_ =	shalt  }
0x84: {  	_ =	shalt  }
0x85: {  	_ =	shalt  }
0x86: {  	_ =	shalt  }
0x87: {  	_ =	shalt  }
.Lfunc_end0:
.L_simem_size_0:
called_computation_lowered:
.L_overlay_start_0:
0x88: {  	s2 =	sld [smem:$0x3FD9]  }
0x89: {  	s3 =	sld [smem:$0x3FFE];
	_ =	sdelay $0x1  }
0x8a: {  	s1 =	srdreg.scid  }
0x8b: {  	s0 =	sand.u32 $0x1, s1  }
0x8c: {  	s17 =	sshll.u32 s0, $0xA;
	s2 =	sadd.s32 s3, s2  }
0x8d: {  	s2 =	sadd.s32 s2, s17  }
0x8e: {  	[smem:$0x3FC2] =	sst s2  }
0x8f: {  	_ = 	snop  }
0x90: {  	s2 =	sld [smem:$0x3FC9];
	(tm) =	ssettm $0x1  }
0x91: {  	s18 =	sld [smem:$0x3FFB];
	_ =	sdelay $0x3  }
0x92: {  	_ =	strace s18  }
0x93: {  	s3 =	sld [smem:$0x3FFC];
	_ =	sdelay $0x3  }
0x94: {  	_ =	strace s3  }
0x95: {  	s3 =	sld [smem:$0x3FFD];
	_ =	sdelay $0x3  }
0x96: {  	_ =	strace s3  }
0x97: {  	_ =	strace $0x8FFFFFFF  }
0x98: {  	s19 =	sld [smem:$0x3FDB];
	_ =	sdelay $0x1  }
0x99: {  	s4 =	simm.s32 $_scs_section_size  }
0x9a: {  	s5 =	simm.s32 $_size__tile_overlayer_lowered;
	s6 =	simm.s32 $_tile_overlayer_lowered  }
0x9b: {  	s22 =	simm.s32 $0x1BFF;
	s21 =	sshll.u32 s6, $0x1;
	s3 =	sadd.s32 s4, s19  }
0x9c: {  	s7 =	simm.s32 $0x0;
	s20 =	sshll.u32 s5, $0x1;
	s5 =	sadd.s32 s21, s3  }
0x9d: {  	[timem:s7], [sflag:s22] =	dma.local [hbm:s5], s20  }
0x9e: {  	_ =	swait.ge [sflag:s22], s20  }
0x9f: {  	s4 =	ssub.s32 $0x0, s20;
	[sflag:s22] =	ssyncset.done $0x0  }
0xa0: {  	[sflag:s22] =	ssyncadd.s32 s4;
	_ =	sdelay $0x1  }
0xa1: {  	s23 =	simm.s32 $0x1B8B  }
0xa2: {  	_ =	swait.ge [sflag:s23], $0x1  }
0xa3: {  	[sflag:s23] =	ssyncset.done $0x0  }
0xa4: {  	s25 =	simm.s32 $0x1B8E;
	s24 =	sld [smem:$0x3FFE];
	[sflag:s23] =	ssyncadd.s32 $0xFFFFFFFF  }
0xa5: {  	s26 =	simm.s32 $execute0_lowered;
	[smem:$0x3FD2] =	sst s25  }
0xa6: {  	s5 =	sshll.u32 s26, $0x1;
	_ =	strace $0x80000046;
	[dreg:$0x1] =	wrdreg $0xFFFFFFFF  }
0xa7: {  	s28 =	simm.s32 $_size_execute0_lowered;
	s3 =	sadd.s32 s3, s5;
	[dreg:$0x0] =	wrdreg $0x0  }
0xa8: {  	s5 =	sshll.u32 s28, $0x1;
	[dreg:$0x2] =	wrdreg s3  }
0xa9: {  	[dreg:$0x3] =	wrdreg s5  }
0xaa: {  	[dreg:$0x4] =	wrdreg $0xC0  }
0xab: {  	_ =	task [dreg:s7], $0x5FFFF  }
0xac: {  	[dreg:$0x1] =	wrdreg $0xFFFFFFFF  }
0xad: {  	[dreg:$0x0] =	wrdreg $0x60  }
0xae: {  	[dreg:$0x2] =	wrdreg s24  }
0xaf: {  	[dreg:$0x3] =	wrdreg s2  }
0xb0: {  	[dreg:$0x4] =	wrdreg $0xEC400  }
0xb1: {  	[dreg:$0x5] =	wrdreg $0x9  }
0xb2: {  	_ =	task.clear_ibuf [dreg:s7], $0x6FFFF;
	_ =	strace $0x90000046  }
0xb3: {  	s29 =	simm.s32 $0x9;
	_ =	strace $0x80000048  }
0xb4: {  	_ =	swait.ge [sflag:s29], $0x1  }
0xb5: {  	[sflag:s29] =	ssyncadd.s32 $0xFFFFFFFF  }
0xb6: {  	_ =	strace $0x90000048  }
0xb7: {  	_ =	sfence  }
0xb8: {  	s30 =	sld [smem:$0x0];
	_ =	sdelay $0x2  }
0xb9: {  	s31 =	sshll.u32 s1, $0xD;
	s1 =	sshrl.u32 s1, $0x2  }
0xba: {  	s3 =	sand.u32 $0x4000, s31;
	s1 =	sadd.s32 s1, s30  }
0xbb: {  	s0 =	sor.u32 s3, s0;
	s1 =	sshll.u32 s1, $0x11  }
0xbc: {  	s0 =	sor.u32 s1, s0  }
0xbd: {  	s0 =	sadd.s32 $0x8F2B, s0  }
0xbe: {  	[sflag:s0] =	ssyncadd.remote.s32 $0x1  }
0xbf: {  	_ =	sfence.sel $0xFFFF  }
0xc0: {  	[dreg:$0x0] =	wrdreg $0xFFFFFFFF;
	(pc) =	sbr.abs _section_cstart, $3  }
0xc1: {  	[dreg:$0x1] =	wrdreg $0xFFFFFFFF  }
0xc2: {  	_ =	task.clear_ibuf [dreg:s7], $0x2FFFF;
	_ =	strace $0x9FFFFFFF  }
0xc3: {  	(tm) =	ssettm $0x7FFFFFFF  }
tec
execute0_lowered:
.L_overlay_start_1:
0x0: {  	(tag) =	ssettag $0x1  }
0x1: {  	s0 =	rddreg [dreg:$0x0]  }
0x2: {  	s1 =	rddreg [dreg:$0x1]  }
0x3: {  	s3 =	rddreg [dreg:$0x2]  }
0x4: {  	s4 =	simm.s32 $0x0;
	s2 =	srdreg.scid;
	s25 =	stileid.u32  }
0x5: {  	s31 =	simm.s32 $0x2;
	s28 =	simm.s32 $0x3;
	s29 =	simm.s32 $0x0  }
0x6: {  	[smem:$0x7FF] =	sst s4;
	s2 =	sand.u32 $0x1, s2;
	s5 =	smul.u32 $0x9C4, s25  }
0x7: {  	s13 =	sadd.s32 $0x13C00, s0;
	s24 =	smul.u32 $0xA000, s25;
	p0 =	seq.s32 s25, $0xF  }
0x8: {  	_ =	strace $0x80000047;
	s6 =	ssub.s32 $0x2, s2;
	s7 =	smul.u32 $0x9C400, s2  }
0x9: {  	v0 =	vmov s2;
	s2 =	simm.s32 $0x4;
	s8 =	sshrl.u32 s6, $0x1;
	s14 =	sadd.s32 s0, s5  }
0xa: {  	s0 =	smul.u32 $0x28000, s25;
	s5 =	sor.u32 $0x1400, s24;
	s18 =	sadd.s32 $0x2800, s24  }
0xb: {  	s19 =	sadd.s32 $0x3C00, s24;
	s20 =	sadd.s32 $0x5000, s24;
	s21 =	sadd.s32 $0x6400, s24  }
0xc: {  	s22 =	sadd.s32 $0x7800, s24;
	s23 =	sadd.s32 $0x8C00, s24;
	s25 =	simm.s32 $0x9C40  }
0xd: {  	s6 =	ssub.s32 s6, s8;
	s15 =	sadd.s32 s7, s24;
	s9 =	sadd.s32 s7, s5  }
0xe: {  	s17 =	sadd.s32 s7, s18;
	s26 =	sadd.s32 s7, s19;
	s10 =	sadd.s32 s7, s20  }
0xf: {  	s11 =	sadd.s32 s7, s21;
	s12 =	sadd.s32 s7, s22;
	s7 =	sadd.s32 s7, s23  }
0x10: {  	s18 =	sadd.s32 s18, s3;
	s19 =	sadd.s32 s19, s3;
	s20 =	sadd.s32 s20, s3  }
0x11: {  	s21 =	sadd.s32 s21, s3;
	s22 =	sadd.s32 s22, s3;
	s23 =	sadd.s32 s23, s3  }
0x12: {  	s24 =	sadd.s32 s24, s3;
	s8 =	sshrl.u32 s15, $0x3;
	s16 =	sshrl.u32 s9, $0x3  }
0x13: {  	s9 =	sshrl.u32 s26, $0x3;
	s10 =	sshrl.u32 s10, $0x3;
	s11 =	sshrl.u32 s11, $0x3  }
0x14: {  	s12 =	sshrl.u32 s12, $0x3;
	s7 =	sshrl.u32 s7, $0x3;
	s0 =	sshrl.u32 s0, $0x2  }
0x15: {  	s15 =	smax.u32 s6, $0x1;
	s26 =	simm.s32 $0x50;
	s8 =	sadd.s32 s13, s8  }
0x16: {  	s30 =	sadd.s32 s13, s9;
	s10 =	sadd.s32 s13, s10;
	s11 =	sadd.s32 s13, s11  }
.Ltmp0:
0x17: {  	s12 =	sadd.s32 s13, s12;
	[dreg:$0x4] =	wrdreg s8;
	(pc) =	sbr.rel .LBB2_1-.Ltmp0, $4  }
0x18: {  	s9 =	smov.u32 s14;
	s8 =	sadd.s32 s13, s16;
	[dreg:$0x7] =	wrdreg s30  }
0x19: {  	s14 =	sadd.s32 $0x9E00, s14;
	[dreg:$0x5] =	wrdreg s8;
	s8 =	sshrl.u32 s17, $0x3  }
0x1a: {  	s16 =	sadd.s32 s0, s3;
	s0 =	simm.s32 $0x1;
	s8 =	sadd.s32 s13, s8  }
0x1b: {  	v1 =	vimm.f32 $0.0e+00;
	s17 =	sadd.s32 s5, s3;
	s13 =	sadd.s32 s13, s7;
	[dreg:$0x6] =	wrdreg s8  }
.LBB2_9:
0x1c: {  	_ =	swait.ge [sflag:s31], $0x1400  }
0x1d: {  	[sflag:s31] =	ssyncset.done $0x0  }
0x1e: {  	[sflag:s31] =	ssyncadd.s32 $0xFFFFEC00  }
0x1f: {  	_ =	swait.ge [sflag:s31], $0x1400  }
0x20: {  	[sflag:s31] =	ssyncset.done $0x0  }
0x21: {  	[sflag:s31] =	ssyncadd.s32 $0xFFFFEC00  }
0x22: {  	_ =	swait.ge [sflag:s31], $0x1400  }
0x23: {  	[sflag:s31] =	ssyncset.done $0x0  }
0x24: {  	[sflag:s31] =	ssyncadd.s32 $0xFFFFEC00  }
0x25: {  	_ =	swait.ge [sflag:s31], $0x1400  }
0x26: {  	[sflag:s31] =	ssyncset.done $0x0  }
0x27: {  	[sflag:s31] =	ssyncadd.s32 $0xFFFFEC00  }
0x28: {  	[bflag:$0x0] =	sbarrier.arrive $0xFFFF  }
0x29: {  	[tilespmem:s25], [sflag:$0x4] =	stream.linear.gather [spmem:s24], $0x1400, $0x38;
	[tilespmem:$0x18C40] =	vst v63  }
0x2a: {  	_ =	swait.ge [sflag:s2], $0x1400  }
0x2b: {  	[sflag:s2] =	ssyncset.done $0x0  }
0x2c: {  	s5 =	rddreg [dreg:$0x4];
	[sflag:s2] =	ssyncadd.s32 $0xFFFFEC00  }
0x2d: {  	[hbm4b:s5+s4] =	stream.linear.scatter [tilespmem:s25], [sflag:$0x3], $0x1400, $0x38;
	[tilespmem:$0x18C40] =	vst v63  }
0x2e: {  	_ =	swait.ge [sflag:s28], $0x1400  }
0x2f: {  	[sflag:s28] =	ssyncset.done $0x0  }
0x30: {  	[sflag:s28] =	ssyncadd.s32 $0xFFFFEC00  }
0x31: {  	[tilespmem:s25], [sflag:$0x4] =	stream.linear.gather [spmem:s17], $0x1400, $0x38;
	[tilespmem:$0x18C40] =	vst v63  }
0x32: {  	_ =	swait.ge [sflag:s2], $0x1400  }
0x33: {  	[sflag:s2] =	ssyncset.done $0x0  }
0x34: {  	s7 =	rddreg [dreg:$0x5];
	[sflag:s2] =	ssyncadd.s32 $0xFFFFEC00  }
0x35: {  	[hbm4b:s7+s4] =	stream.linear.scatter [tilespmem:s25], [sflag:$0x3], $0x1400, $0x38;
	[tilespmem:$0x18C40] =	vst v63  }
0x36: {  	_ =	swait.ge [sflag:s28], $0x1400  }
0x37: {  	[sflag:s28] =	ssyncset.done $0x0  }
0x38: {  	[sflag:s28] =	ssyncadd.s32 $0xFFFFEC00  }
0x39: {  	[tilespmem:s25], [sflag:$0x4] =	stream.linear.gather [spmem:s18], $0x1400, $0x38;
	[tilespmem:$0x18C40] =	vst v63  }
0x3a: {  	_ =	swait.ge [sflag:s2], $0x1400  }
0x3b: {  	[sflag:s2] =	ssyncset.done $0x0  }
0x3c: {  	s8 =	rddreg [dreg:$0x6];
	[sflag:s2] =	ssyncadd.s32 $0xFFFFEC00  }
0x3d: {  	[hbm4b:s8+s4] =	stream.linear.scatter [tilespmem:s25], [sflag:$0x3], $0x1400, $0x38;
	[tilespmem:$0x18C40] =	vst v63  }
0x3e: {  	_ =	swait.ge [sflag:s28], $0x1400  }
0x3f: {  	[sflag:s28] =	ssyncset.done $0x0  }
0x40: {  	[sflag:s28] =	ssyncadd.s32 $0xFFFFEC00  }
0x41: {  	[tilespmem:s25], [sflag:$0x4] =	stream.linear.gather [spmem:s19], $0x1400, $0x38;
	[tilespmem:$0x18C40] =	vst v63  }
0x42: {  	_ =	swait.ge [sflag:s2], $0x1400  }
0x43: {  	[sflag:s2] =	ssyncset.done $0x0  }
0x44: {  	s30 =	rddreg [dreg:$0x7];
	[sflag:s2] =	ssyncadd.s32 $0xFFFFEC00  }
0x45: {  	[hbm4b:s30+s4] =	stream.linear.scatter [tilespmem:s25], [sflag:$0x3], $0x1400, $0x38;
	[tilespmem:$0x18C40] =	vst v63  }
0x46: {  	_ =	swait.ge [sflag:s28], $0x1400  }
0x47: {  	[sflag:s28] =	ssyncset.done $0x0  }
0x48: {  	[sflag:s28] =	ssyncadd.s32 $0xFFFFEC00  }
0x49: {  	[tilespmem:s25], [sflag:$0x4] =	stream.linear.gather [spmem:s20], $0x1400, $0x38;
	[tilespmem:$0x18C40] =	vst v63  }
0x4a: {  	_ =	swait.ge [sflag:s2], $0x1400  }
0x4b: {  	[sflag:s2] =	ssyncset.done $0x0  }
0x4c: {  	[sflag:s2] =	ssyncadd.s32 $0xFFFFEC00  }
0x4d: {  	[hbm4b:s10+s4] =	stream.linear.scatter [tilespmem:s25], [sflag:$0x3], $0x1400, $0x38;
	[tilespmem:$0x18C40] =	vst v63  }
0x4e: {  	_ =	swait.ge [sflag:s28], $0x1400  }
0x4f: {  	[sflag:s28] =	ssyncset.done $0x0  }
0x50: {  	s6 =	simm.s32 @!p0 $0x4;
	s5 =	simm.s32 @!p0 $0x9C40;
	[sflag:s28] =	ssyncadd.s32 $0xFFFFEC00  }
0x51: {  	[tilespmem:s5], [sflag:$0x4] =	stream.linear.gather @!p0 [spmem:s21], $0x1400, $0x38;
	[tilespmem:$0x18C40] =	vst v63  }
0x52: {  	_ =	swait.ge @!p0 [sflag:s6], $0x1400  }
0x53: {  	[sflag:s6] =	ssyncset.done @!p0 $0x0  }
0x54: {  	s7 =	simm.s32 @!p0 $0x0;
	s8 =	simm.s32 @!p0 $0x3;
	[sflag:s6] =	ssyncadd.s32 @!p0 $0xFFFFEC00  }
0x55: {  	[hbm4b:s11+s7] =	stream.linear.scatter @!p0 [tilespmem:s5], [sflag:$0x3], $0x1400, $0x38;
	[tilespmem:$0x18C40] =	vst v63  }
0x56: {  	_ =	swait.ge @!p0 [sflag:s8], $0x1400  }
0x57: {  	[sflag:s8] =	ssyncset.done @!p0 $0x0  }
0x58: {  	[sflag:s8] =	ssyncadd.s32 @!p0 $0xFFFFEC00  }
0x59: {  	[tilespmem:s5], [sflag:$0x4] =	stream.linear.gather @!p0 [spmem:s22], $0x1400, $0x38;
	[tilespmem:$0x18C40] =	vst v63  }
0x5a: {  	_ =	swait.ge @!p0 [sflag:s6], $0x1400  }
0x5b: {  	[sflag:s6] =	ssyncset.done @!p0 $0x0  }
0x5c: {  	[sflag:s6] =	ssyncadd.s32 @!p0 $0xFFFFEC00  }
0x5d: {  	[hbm4b:s12+s7] =	stream.linear.scatter @!p0 [tilespmem:s5], [sflag:$0x3], $0x1400, $0x38;
	[tilespmem:$0x18C40] =	vst v63  }
0x5e: {  	_ =	swait.ge @!p0 [sflag:s8], $0x1400  }
0x5f: {  	[sflag:s8] =	ssyncset.done @!p0 $0x0  }
0x60: {  	[sflag:s8] =	ssyncadd.s32 @!p0 $0xFFFFEC00  }
0x61: {  	[tilespmem:s5], [sflag:$0x4] =	stream.linear.gather @!p0 [spmem:s23], $0x1400, $0x38;
	[tilespmem:$0x18C40] =	vst v63  }
0x62: {  	s29 =	sadd.s32 $0x1, s29;
	_ =	swait.ge @!p0 [sflag:s6], $0x1400  }
0x63: {  	p1 =	sne.s32 s29, s15;
	[sflag:s6] =	ssyncset.done @!p0 $0x0  }
.Ltmp1:
0x64: {  	[sflag:s6] =	ssyncadd.s32 @!p0 $0xFFFFEC00;
	(pc) =	sbr.rel @!p1 .LBB2_10-.Ltmp1, $4  }
0x65: {  	[hbm4b:s13+s7] =	stream.linear.scatter @!p0 [tilespmem:s5], [sflag:$0x3], $0x1400, $0x38;
	[tilespmem:$0x18C40] =	vst v63  }
0x66: {  	_ =	swait.ge @!p0 [sflag:s8], $0x1400  }
0x67: {  	[sflag:s8] =	ssyncset.done @!p0 $0x0  }
0x68: {  	[sflag:s8] =	ssyncadd.s32 @!p0 $0xFFFFEC00  }
.LBB2_1:
0x69: {  	s5 =	sand.u32 $0x7F00, s4  }
0x6a: {  	s6 =	sand.u32 $0x30, s4;
	s7 =	sshrl.u32 s5, $0x2  }
0x6b: {  	s5 =	simm.s32 $0x40;
	s7 =	sor.u32 s6, s7;
	s6 =	simm.s32 $0x0  }
.LBB2_2:
0x6c: {  	p1 =	sne.s32 s5, $0x4FC0  }
0x6d: {  	[tilespmem:s7+$0x9C40] =	vst v1;
	s6 =	sadd.s32 $0x10, s6;
	s7 =	smov.u32 s5;
	s5 =	sadd.s32 $0x40, s5  }
.Ltmp2:
0x6e: {  	(pc) =	sbr.rel @p1 .LBB2_2-.Ltmp2, $4  }
0x6f: {  	_ = 	snop  }
0x70: {  	s7 =	sand.u32 $0x7F00, s7  }
0x71: {  	s30 =	sand.u32 $0x30, s6;
	s7 =	sshrl.u32 s7, $0x2  }
0x72: {  	s7 =	sor.u32 s30, s7  }
0x73: {  	[tilespmem:s7+$0x9C40] =	vst v1;
	s30 =	simm.s32 $0x3  }
0x74: {  	[spmem:s16] =	stream.linear.scatter [tilespmem:s25], [sflag:$0x3], $0x1400, $0x38;
	[tilespmem:$0x18C40] =	vst v63  }
0x75: {  	_ =	swait.ge [sflag:s30], $0x1400  }
0x76: {  	[sflag:s30] =	ssyncset.done $0x0  }
0x77: {  	[sflag:s30] =	ssyncadd.s32 $0xFFFFEC00  }
0x78: {  	[spmem:s17] =	stream.linear.scatter [tilespmem:s25], [sflag:$0x3], $0x1400, $0x38;
	[tilespmem:$0x18C40] =	vst v63  }
0x79: {  	_ =	swait.ge [sflag:s30], $0x1400  }
0x7a: {  	[sflag:s30] =	ssyncset.done $0x0  }
0x7b: {  	[sflag:s30] =	ssyncadd.s32 $0xFFFFEC00  }
0x7c: {  	[spmem:s18] =	stream.linear.scatter [tilespmem:s25], [sflag:$0x3], $0x1400, $0x38;
	[tilespmem:$0x18C40] =	vst v63  }
0x7d: {  	_ =	swait.ge [sflag:s30], $0x1400  }
0x7e: {  	[sflag:s30] =	ssyncset.done $0x0  }
0x7f: {  	[sflag:s30] =	ssyncadd.s32 $0xFFFFEC00  }
0x80: {  	[spmem:s19] =	stream.linear.scatter [tilespmem:s25], [sflag:$0x3], $0x1400, $0x38;
	[tilespmem:$0x18C40] =	vst v63  }
0x81: {  	_ =	swait.ge [sflag:s30], $0x1400  }
0x82: {  	[sflag:s30] =	ssyncset.done $0x0  }
0x83: {  	[sflag:s30] =	ssyncadd.s32 $0xFFFFEC00  }
0x84: {  	[spmem:s20] =	stream.linear.scatter [tilespmem:s25], [sflag:$0x3], $0x1400, $0x38;
	[tilespmem:$0x18C40] =	vst v63  }
0x85: {  	_ =	swait.ge [sflag:s30], $0x1400  }
0x86: {  	[sflag:s30] =	ssyncset.done $0x0  }
0x87: {  	[sflag:s30] =	ssyncadd.s32 $0xFFFFEC00  }
0x88: {  	[spmem:s21] =	stream.linear.scatter [tilespmem:s25], [sflag:$0x3], $0x1400, $0x38;
	[tilespmem:$0x18C40] =	vst v63  }
0x89: {  	_ =	swait.ge [sflag:s30], $0x1400  }
0x8a: {  	[sflag:s30] =	ssyncset.done $0x0  }
0x8b: {  	[sflag:s30] =	ssyncadd.s32 $0xFFFFEC00  }
0x8c: {  	[spmem:s22] =	stream.linear.scatter [tilespmem:s25], [sflag:$0x3], $0x1400, $0x38;
	[tilespmem:$0x18C40] =	vst v63  }
0x8d: {  	_ =	swait.ge [sflag:s30], $0x1400  }
0x8e: {  	[sflag:s30] =	ssyncset.done $0x0  }
0x8f: {  	[sflag:s30] =	ssyncadd.s32 $0xFFFFEC00  }
0x90: {  	[spmem:s23] =	stream.linear.scatter [tilespmem:s25], [sflag:$0x3], $0x1400, $0x38;
	[tilespmem:$0x18C40] =	vst v63  }
0x91: {  	_ =	swait.ge [sflag:s30], $0x1400  }
0x92: {  	[sflag:s30] =	ssyncset.done $0x0  }
0x93: {  	[sflag:s30] =	ssyncadd.s32 $0xFFFFEC00  }
0x94: {  	[bflag:$0x0] =	sbarrier.arrive $0xFFFF  }
0x95: {  	[tilespmem:s4], [sflag:$0x3] =	stream.linear.gather [hbm4b:s9+s4], $0x4E20, $0x38;
	[tilespmem:$0x18C40] =	vst v63  }
0x96: {  	_ =	swait.ge [sflag:s30], $0x4E20  }
0x97: {  	[sflag:s30] =	ssyncset.done $0x0  }
0x98: {  	s5 =	simm.s32 $0x4E20;
	[sflag:s30] =	ssyncadd.s32 $0xFFFFB1E0  }
0x99: {  	[tilespmem:s5], [sflag:$0x3] =	stream.linear.gather [hbm4b:s14+s4], $0x4E20, $0x38;
	[tilespmem:$0x18C40] =	vst v63  }
0x9a: {  	_ =	swait.ge [sflag:s30], $0x4E20  }
0x9b: {  	[sflag:s30] =	ssyncset.done $0x0  }
0x9c: {  	[sflag:s30] =	ssyncadd.s32 $0xFFFFB1E0  }
0x9d: {  	v2 =	vld [tilespmem:$0x0]  }
0x9e: {  	v3 =	vld [tilespmem:$0x10]  }
0x9f: {  	v4 =	vld [tilespmem:$0x20]  }
0xa0: {  	v5 =	vld [tilespmem:$0x30]  }
0xa1: {  	v6 =	vld [tilespmem:$0x40]  }
0xa2: {  	v2 =	vshll.u32 v2, $0x1  }
0xa3: {  	v3 =	vshll.u32 v3, $0x1;
	v2 =	vor.u32 v0, v2  }
0xa4: {  	[tilespmem:$0x0] =	vst v2;
	v2 =	vor.u32 v0, v3;
	v3 =	vshll.u32 v4, $0x1  }
0xa5: {  	[tilespmem:$0x10] =	vst v2;
	v2 =	vor.u32 v0, v3;
	v3 =	vshll.u32 v5, $0x1  }
0xa6: {  	[tilespmem:$0x20] =	vst v2;
	v2 =	vor.u32 v0, v3;
	v3 =	vshll.u32 v6, $0x1  }
0xa7: {  	[tilespmem:$0x30] =	vst v2;
	v2 =	vor.u32 v0, v3  }
0xa8: {  	[tilespmem:$0x40] =	vst v2  }
0xa9: {  	[tilespmem:s25], [sflag:$0x1] =	stream.indirect.gather [hbm4b:s1+s26], $0x40, s4, s26, $0xb8;
	[tilespmem:$0x18C40] =	vst v63  }
0xaa: {  	v2 =	vld [tilespmem:$0x50]  }
0xab: {  	v3 =	vld [tilespmem:$0x60]  }
0xac: {  	v58 =	vld [tilespmem:$0x70]  }
0xad: {  	v59 =	vld [tilespmem:$0x80]  }
0xae: {  	v60 =	vld [tilespmem:$0x90]  }
0xaf: {  	v2 =	vshll.u32 v2, $0x1  }
0xb0: {  	v3 =	vshll.u32 v3, $0x1;
	v2 =	vor.u32 v0, v2  }
0xb1: {  	[tilespmem:$0x50] =	vst v2;
	v2 =	vor.u32 v0, v3;
	v3 =	vshll.u32 v58, $0x1  }
0xb2: {  	[tilespmem:$0x60] =	vst v2;
	v2 =	vor.u32 v0, v3;
	v3 =	vshll.u32 v59, $0x1  }
0xb3: {  	[tilespmem:$0x70] =	vst v2;
	v2 =	vor.u32 v0, v3;
	v3 =	vshll.u32 v60, $0x1  }
0xb4: {  	[tilespmem:$0x80] =	vst v2;
	v2 =	vor.u32 v0, v3  }
0xb5: {  	s6 =	simm.s32 $0xB040;
	[tilespmem:$0x90] =	vst v2  }
0xb6: {  	[tilespmem:s6], [sflag:$0x1] =	stream.indirect.gather [hbm4b:s1+s26], $0x40, s26, s26, $0xb8;
	[tilespmem:$0x18C40] =	vst v63  }
0xb7: {  	v2 =	vld [tilespmem:$0xA0]  }
0xb8: {  	v3 =	vld [tilespmem:$0xB0]  }
0xb9: {  	v61 =	vld [tilespmem:$0xC0]  }
0xba: {  	v62 =	vld [tilespmem:$0xD0]  }
0xbb: {  	v63 =	vld [tilespmem:$0xE0]  }
0xbc: {  	v2 =	vshll.u32 v2, $0x1  }
0xbd: {  	v3 =	vshll.u32 v3, $0x1;
	v2 =	vor.u32 v0, v2  }
0xbe: {  	[tilespmem:$0xA0] =	vst v2;
	v2 =	vor.u32 v0, v3;
	v3 =	vshll.u32 v61, $0x1  }
.Ltmp3:
0xbf: {  	[tilespmem:$0xB0] =	vst v2;
	v2 =	vor.u32 v0, v3;
	v3 =	vshll.u32 v62, $0x1;
	(pc) =	sbr.rel .LBB2_4-.Ltmp3, $4  }
0xc0: {  	[tilespmem:$0xC0] =	vst v2;
	v2 =	vor.u32 v0, v3;
	v3 =	vshll.u32 v63, $0x1  }
0xc1: {  	[tilespmem:$0xD0] =	vst v2;
	v2 =	vor.u32 v0, v3  }
0xc2: {  	s7 =	simm.s32 $0xA0;
	s8 =	simm.s32 $0xC440;
	s6 =	simm.s32 $0xF0;
	[tilespmem:$0xE0] =	vst v2  }
0xc3: {  	[tilespmem:s8], [sflag:$0x1] =	stream.indirect.gather [hbm4b:s1+s26], $0x40, s7, s26, $0xb8;
	[tilespmem:$0x18C40] =	vst v63  }
.LBB2_5:
0xc4: {  	_ =	swait.ge [sflag:s31], $0x1400  }
0xc5: {  	[sflag:s31] =	ssyncset.done $0x0  }
0xc6: {  	[sflag:s31] =	ssyncadd.s32 $0xFFFFEC00  }
.LBB2_7:
0xc7: {  	v2 =	vld [tilespmem:s6+$0x0];
	_ =	sdelay $0x4  }
0xc8: {  	v2 =	vshll.u32 v2, $0x1  }
0xc9: {  	v2 =	vor.u32 v0, v2  }
0xca: {  	[tilespmem:s6+$0x0] =	vst v2;
	v2 =	vld [tilespmem:s6+$0x10];
	_ =	sdelay $0x4  }
0xcb: {  	v2 =	vshll.u32 v2, $0x1  }
0xcc: {  	v2 =	vor.u32 v0, v2  }
0xcd: {  	[tilespmem:s6+$0x10] =	vst v2;
	v2 =	vld [tilespmem:s6+$0x20];
	_ =	sdelay $0x4  }
0xce: {  	v2 =	vshll.u32 v2, $0x1  }
0xcf: {  	v2 =	vor.u32 v0, v2  }
0xd0: {  	[tilespmem:s6+$0x20] =	vst v2;
	v2 =	vld [tilespmem:s6+$0x30];
	_ =	sdelay $0x4  }
0xd1: {  	v2 =	vshll.u32 v2, $0x1  }
0xd2: {  	v2 =	vor.u32 v0, v2  }
0xd3: {  	[tilespmem:s6+$0x30] =	vst v2;
	v2 =	vld [tilespmem:s6+$0x40];
	_ =	sdelay $0x2  }
0xd4: {  	s8 =	sand.u32 $0x3, s30  }
0xd5: {  	s8 =	smul.u32 $0x5000, s8  }
0xd6: {  	v2 =	vshll.u32 v2, $0x1  }
0xd7: {  	s8 =	sshrl.u32 s8, $0x2;
	v2 =	vor.u32 v0, v2  }
0xd8: {  	s8 =	sadd.s32 $0x9C40, s8;
	[tilespmem:s6+$0x40] =	vst v2  }
0xd9: {  	[tilespmem:s8], [sflag:$0x1] =	stream.indirect.gather [hbm4b:s1+s26], $0x40, s6, s26, $0xb8;
	[tilespmem:$0x18C40] =	vst v63  }
.LBB2_8:
0xda: {  	s7 =	sand.u32 $0x3, s7;
	s30 =	sadd.s32 $0x1, s30  }
0xdb: {  	s7 =	smul.u32 $0x5000, s7;
	p1 =	sne.s32 s30, $0xFD  }
.Ltmp4:
0xdc: {  	_ =	swait.ge [sflag:s0], $0x1400;
	(pc) =	sbr.rel @!p1 .LBB2_9-.Ltmp4, $4  }
0xdd: {  	[sflag:s0] =	ssyncset.done $0x0;
	s7 =	sshrl.u32 s7, $0x2  }
0xde: {  	[sflag:s0] =	ssyncadd.s32 $0xFFFFEC00;
	s7 =	sadd.s32 $0x9C40, s7  }
0xdf: {  	[spmem:s3] =	stream.indirect.scatter.add.f32 [tilespmem:s7], [sflag:$0x2], $0x40, s5, s26, $0xb8;
	[tilespmem:$0x18C40] =	vst v63  }
0xe0: {  	s6 =	sadd.s32 $0x50, s6;
	s5 =	sadd.s32 $0x50, s5  }
.LBB2_4:
0xe1: {  	s7 =	sadd.s32 $0xFFFFFFFC, s30  }
0xe2: {  	p1 =	sgt.u32 s7, $0xF5  }
.Ltmp5:
0xe3: {  	_ = 	snop;
	(pc) =	sbr.rel @!p1 .LBB2_5-.Ltmp5, $2  }
0xe4: {  	_ =	sdelay $0x2  }
0xe5: {  	s7 =	sadd.s32 $0xFFFFFFFD, s30  }
0xe6: {  	p1 =	sgt.u32 s7, $0xF6  }
.Ltmp6:
0xe7: {  	_ = 	snop;
	(pc) =	sbr.rel @p1 .LBB2_8-.Ltmp6, $4  }
.Ltmp7:
0xe8: {  	_ = 	snop;
	(pc) =	sbr.rel @!p1 .LBB2_7-.Ltmp7, $4  }
0xe9: {  	_ = 	snop  }
0xea: {  	_ = 	snop  }
0xeb: {  	_ = 	snop  }
0xec: {  	_ = 	snop  }
.LBB2_10:
0xed: {  	_ =	sfence.sel $0x180000  }
0xee: {  	[bflag:$0x0] =	sbarrier.arrive $0xFFFF  }
0xef: {  	_ =	strace $0x90000047  }
0xf0: {  	s0 =	stileid.u32;
	[bflag:$0x2] =	sbarrier.arrive $0xFFFF  }
0xf1: {  	p0 =	sne.s32 s0, $0x0;
	s0 =	rddreg [dreg:$0x3]  }
0xf2: {  	s0 =	sadd.s32 @!p0 $0x100000, s0  }
0xf3: {  	[sflag:s0] =	ssyncadd.tile.s32 @!p0 $0x1;
	_ =	shalt  }
.Lfunc_end2:
_tile_overlayer_lowered:
.L_overlay_start_2:
0xf4: {  	(tag) =	ssettag $0x2  }
0xf5: {  	s0 =	rddreg [dreg:$0x0];
	s2 =	stileid.u32  }
0xf6: {  	s1 =	rddreg [dreg:$0x1];
	p0 =	sne.s32 s2, $0x0  }
0xf7: {  	s3 =	rddreg [dreg:$0x2];
	[bflag:$0x3] =	sbarrier.arrive $0xFFFF;
	s2 =	simm.s32 @!p0 $0x1C03  }
0xf8: {  	[timem:s3], [sflag:s2] =	dma.local @!p0 [hbm:s0], s1  }
0xf9: {  	s0 =	simm.s32 @!p0 $0x3  }
0xfa: {  	_ =	swait.ge @!p0 [sflag:s0], s1  }
0xfb: {  	s1 =	ssub.s32 @!p0 $0x0, s1;
	[sflag:s0] =	ssyncset.done @!p0 $0x0  }
0xfc: {  	[sflag:s0] =	ssyncadd.s32 @!p0 s1  }
0xfd: {  	[bflag:$0x3] =	sbarrier.arrive $0xFFFF  }
0xfe: {  	_ =	shalt  }

</sc_bundles>
